<compile_context>
chip_gen: v7x
topology: tpu7x:2x2x1
jax: 0.10.2.dev20260603
libtpu: 0.0.44.dev20260713+nightly
codegen_flags: <defaults>
</compile_context>

<pallas_src>
import jax
import jax.numpy as jnp
from jax import lax
from jax.experimental import pallas as pl
from jax.experimental.pallas import tpu as pltpu
from jax.experimental.pallas import tpu_sc as plsc

N = 200000
K = 32
NUM_BINS = 1024
EPS = 1e-8

NC = 2
NS = 16
L = 16
NW = NC * NS

B = 320
BK = B * K
BP = B + 1
BKP = K * BP
NBLK = N // B
MAXB = (NBLK + NW - 1) // NW
G = B // L

B2 = 2000
NBLK2 = N // B2
MAXB2 = (NBLK2 + NW - 1) // NW
G2 = B2 // L


def _rsqrt(s):
    i = lax.bitcast_convert_type(s, jnp.int32)
    i = jnp.int32(0x5F3759DF) - (i >> 1)
    y = lax.bitcast_convert_type(i, jnp.float32)
    y = y * (1.5 - 0.5 * s * y * y)
    y = y * (1.5 - 0.5 * s * y * y)
    return y


def _rsqrt1(s):
    i = lax.bitcast_convert_type(s, jnp.int32)
    i = jnp.int32(0x5F375A86) - (i >> 1)
    y = lax.bitcast_convert_type(i, jnp.float32)
    y = y * (1.5008789 - 0.5 * s * y * y)
    return y


def _main_body(xs, ys, zs, knn_flat, aux, ids, dsel,
               perpt_out, bsum_out, bcnt_out, cos2_out,
               xs_s, ys_s, zs_s,
               idx_pm_v, idx_v, nbx_v, nby_v, nbz_v, aux_v, id_v, soa_v, pp_v,
               bins_v, cnts_v, red_v, cos2_v, dsel_v, sem):
    wid = lax.axis_index("s") * NC + lax.axis_index("c")
    zeros16 = jnp.zeros((L,), jnp.float32)
    ones16 = jnp.ones((L,), jnp.float32)
    iota = lax.iota(jnp.int32, L)

    @pl.when(lax.axis_index("s") == 0)
    def _():
        pltpu.sync_copy(xs, xs_s)
        pltpu.sync_copy(ys, ys_s)
        pltpu.sync_copy(zs, zs_s)
    plsc.subcore_barrier()

    pltpu.sync_copy(dsel, dsel_v)
    cos2_v[...] = zeros16

    zi16 = jnp.zeros((L,), jnp.int32)
    scb = iota * BP
    plsc.store_scatter(idx_v, [scb + B], zi16)
    plsc.store_scatter(idx_v, [scb + (L * BP + B)], zi16)

    def _zero(j, carry):
        bins_v[pl.ds(j * L, L)] = zeros16
        cnts_v[pl.ds(j * L, L)] = zeros16
        return carry
    lax.fori_loop(0, (L * NUM_BINS) // L, _zero, 0)

    dv = dsel_v[...]
    is0 = dv == 0
    is1 = dv == 1

    def _block(i, carry):
        blk = wid + i * NW

        @pl.when(blk < NBLK)
        def _():
            base_p = blk * B
            pltpu.sync_copy(knn_flat.at[pl.ds(base_p * K, BK)], idx_pm_v)
            pltpu.sync_copy(aux.at[blk], aux_v)
            pltpu.sync_copy(ids.at[pl.ds(base_p, B)], id_v)

            def _tp(p, ct):
                f0 = idx_pm_v[pl.ds(p * K, L)]
                f1 = idx_pm_v[pl.ds(p * K + L, L)]
                plsc.store_scatter(idx_v, [scb + p], f0)
                plsc.store_scatter(idx_v, [scb + (L * BP + p)], f1)
                return ct
            lax.fori_loop(0, B, _tp, 0)

            cpx = pltpu.async_copy(xs_s.at[idx_v], nbx_v, sem)
            cpy = pltpu.async_copy(ys_s.at[idx_v], nby_v, sem)
            cpz = pltpu.async_copy(zs_s.at[idx_v], nbz_v, sem)

            def _grp_a(g, ca):
                o = g * L
                qw = aux_v[pl.ds(3 * B + o, L)]
                qx = aux_v[pl.ds(4 * B + o, L)]
                qy = aux_v[pl.ds(5 * B + o, L)]
                qz = aux_v[pl.ds(6 * B + o, L)]
                s = qw * qw + qx * qx + qy * qy + qz * qz
                r = _rsqrt(s + EPS)
                nrm = (s + EPS) * r
                inv = 1.0 / (nrm + EPS)
                nw_, nx_ = qw * inv, qx * inv
                ny_, nz_ = qy * inv, qz * inv
                p_xy, p_wz = nx_ * ny_, nw_ * nz_
                p_xz, p_wy = nx_ * nz_, nw_ * ny_
                p_yz, p_wx = ny_ * nz_, nw_ * nx_
                s_xx, s_yy, s_zz = nx_ * nx_, ny_ * ny_, nz_ * nz_
                ax = jnp.where(is0, 1.0 - 2.0 * (s_yy + s_zz),
                               jnp.where(is1, 2.0 * (p_xy - p_wz),
                                         2.0 * (p_xz + p_wy)))
                ay = jnp.where(is0, 2.0 * (p_xy + p_wz),
                               jnp.where(is1, 1.0 - 2.0 * (s_xx + s_zz),
                                         2.0 * (p_yz - p_wx)))
                az = jnp.where(is0, 2.0 * (p_xz - p_wy),
                               jnp.where(is1, 2.0 * (p_yz + p_wx),
                                         1.0 - 2.0 * (s_xx + s_yy)))
                soa_v[pl.ds(o, L)] = ax
                soa_v[pl.ds(B + o, L)] = ay
                soa_v[pl.ds(2 * B + o, L)] = az
                return ca
            lax.fori_loop(0, G, _grp_a, 0)

            cpx.wait()
            cpy.wait()
            cpz.wait()

            def _grp_b(g, cb):
                o = g * L
                cx = aux_v[pl.ds(o, L)]
                cy = aux_v[pl.ds(B + o, L)]
                cz = aux_v[pl.ds(2 * B + o, L)]
                ax = soa_v[pl.ds(o, L)]
                ay = soa_v[pl.ds(B + o, L)]
                az = soa_v[pl.ds(2 * B + o, L)]

                def _k(k, carry2):
                    accd, accc = carry2
                    ko = k * BP + o
                    nx = nbx_v[pl.ds(ko, L)]
                    ny = nby_v[pl.ds(ko, L)]
                    nz = nbz_v[pl.ds(ko, L)]
                    dx = nx - cx
                    dy = ny - cy
                    dz = nz - cz
                    s = dx * dx + dy * dy + dz * dz + EPS
                    r = _rsqrt1(s)
                    d = s * r
                    t = dx * ax + dy * ay + dz * az
                    u = t * r
                    return (accd + d, accc + u * u)
                accd, accc = lax.fori_loop(0, K, _k, (zeros16, zeros16))

                pp = accd * (1.0 / K)
                pp_v[pl.ds(o, L)] = pp
                idv = id_v[pl.ds(o, L)]
                flat = iota * NUM_BINS + idv
                plsc.addupdate_scatter(bins_v, [flat], pp)
                plsc.addupdate_scatter(cnts_v, [flat], ones16)
                cos2_v[...] = cos2_v[...] + accc
                return cb
            lax.fori_loop(0, G, _grp_b, 0)

            pltpu.sync_copy(pp_v, perpt_out.at[pl.ds(base_p, B)])
        return carry
    lax.fori_loop(0, MAXB, _block, 0)

    def _red_s(j, carry):
        def _acc(l, a):
            return a + bins_v[pl.ds(l * NUM_BINS + j * L, L)]
        red_v[pl.ds(j * L, L)] = lax.fori_loop(0, L, _acc, zeros16)
        return carry
    lax.fori_loop(0, NUM_BINS // L, _red_s, 0)
    pltpu.sync_copy(red_v, bsum_out.at[wid])

    def _red_c(j, carry):
        def _acc(l, a):
            return a + cnts_v[pl.ds(l * NUM_BINS + j * L, L)]
        red_v[pl.ds(j * L, L)] = lax.fori_loop(0, L, _acc, zeros16)
        return carry
    lax.fori_loop(0, NUM_BINS // L, _red_c, 0)
    pltpu.sync_copy(red_v, bcnt_out.at[wid])

    pltpu.sync_copy(cos2_v, cos2_out.at[wid])


_main_call = pl.kernel(
    _main_body,
    out_type=[
        jax.ShapeDtypeStruct((N,), jnp.float32),
        jax.ShapeDtypeStruct((NW, NUM_BINS), jnp.float32),
        jax.ShapeDtypeStruct((NW, NUM_BINS), jnp.float32),
        jax.ShapeDtypeStruct((NW, L), jnp.float32),
    ],
    mesh=plsc.VectorSubcoreMesh(core_axis_name="c", subcore_axis_name="s"),
    compiler_params=pltpu.CompilerParams(needs_layout_passes=False),
    scratch_types=[
        pltpu.VMEM_SHARED((N,), jnp.float32),
        pltpu.VMEM_SHARED((N,), jnp.float32),
        pltpu.VMEM_SHARED((N,), jnp.float32),
        pltpu.VMEM((BK,), jnp.int32),
        pltpu.VMEM((BKP,), jnp.int32),
        pltpu.VMEM((BKP,), jnp.float32),
        pltpu.VMEM((BKP,), jnp.float32),
        pltpu.VMEM((BKP,), jnp.float32),
        pltpu.VMEM((7 * B,), jnp.float32),
        pltpu.VMEM((B,), jnp.int32),
        pltpu.VMEM((3 * B,), jnp.float32),
        pltpu.VMEM((B,), jnp.float32),
        pltpu.VMEM((L * NUM_BINS,), jnp.float32),
        pltpu.VMEM((L * NUM_BINS,), jnp.float32),
        pltpu.VMEM((NUM_BINS,), jnp.float32),
        pltpu.VMEM((L,), jnp.float32),
        pltpu.VMEM((L,), jnp.int32),
        pltpu.SemaphoreType.DMA,
    ],
)


def _loss_body(pd, ids, md, out, md_v, pd_v, id_v, acc_v):
    wid = lax.axis_index("s") * NC + lax.axis_index("c")
    zeros16 = jnp.zeros((L,), jnp.float32)
    pltpu.sync_copy(md, md_v)
    acc_v[...] = zeros16

    def _blk(i, carry):
        blk = wid + i * NW

        @pl.when(blk < NBLK2)
        def _():
            pltpu.sync_copy(pd.at[pl.ds(blk * B2, B2)], pd_v)
            pltpu.sync_copy(ids.at[pl.ds(blk * B2, B2)], id_v)

            def _g(g, c2_):
                pv = pd_v[pl.ds(g * L, L)]
                iv = id_v[pl.ds(g * L, L)]
                mv = plsc.load_gather(md_v, [iv])
                acc_v[...] = acc_v[...] + jnp.abs(pv - mv)
                return c2_
            lax.fori_loop(0, G2, _g, 0)
        return carry
    lax.fori_loop(0, MAXB2, _blk, 0)
    pltpu.sync_copy(acc_v, out.at[wid])


_loss_call = pl.kernel(
    _loss_body,
    out_type=[jax.ShapeDtypeStruct((NW, L), jnp.float32)],
    mesh=plsc.VectorSubcoreMesh(core_axis_name="c", subcore_axis_name="s"),
    compiler_params=pltpu.CompilerParams(needs_layout_passes=False),
    scratch_types=[
        pltpu.VMEM((NUM_BINS,), jnp.float32),
        pltpu.VMEM((B2,), jnp.float32),
        pltpu.VMEM((B2,), jnp.int32),
        pltpu.VMEM((L,), jnp.float32),
    ],
)


def kernel(xyz, xyz_id, rotation, knn_index, direct):
    xs = xyz[:, 0]
    ys = xyz[:, 1]
    zs = xyz[:, 2]
    knn_flat = knn_index.reshape(N * K)
    aux = (jnp.stack([xs, ys, zs,
                      rotation[:, 0], rotation[:, 1],
                      rotation[:, 2], rotation[:, 3]])
           .reshape(7, NBLK, B).transpose(1, 0, 2).reshape(NBLK, 7 * B))
    dsel = jnp.full((L,), direct, jnp.int32)
    perpt, bsum, bcnt, cos2 = _main_call(xs, ys, zs, knn_flat, aux, xyz_id,
                                         dsel)
    sums = jnp.sum(bsum, axis=0)
    cnts = jnp.sum(bcnt, axis=0)
    mean_d = sums / jnp.maximum(cnts, 1.0)
    (lpart,) = _loss_call(perpt, xyz_id, mean_d)
    loss_d = jnp.sum(lpart) / N
    loss_normal = jnp.sum(cos2) / (N * K)
    return (loss_d, loss_normal)

# --- scband reference (transcript-rebuilt; emitter-appended) ---
"""Pipeline reference for scband-elongated-align-90185723281677 (READ-ONLY COPY).

The authoritative reference and input builder live on the scoring server;
editing this copy changes nothing except your own understanding.
"""

import jax, jax.numpy as jnp
import numpy as np

NUM_BINS = 1024
EPS = 1e-8


def quat_to_rotmat(q):
    q = q / (jnp.linalg.norm(q, axis=-1, keepdims=True) + EPS)
    w, x, y, z = q[..., 0], q[..., 1], q[..., 2], q[..., 3]
    row0 = jnp.stack([1 - 2 * (y * y + z * z), 2 * (x * y - w * z), 2 * (x * z + w * y)], axis=-1)
    row1 = jnp.stack([2 * (x * y + w * z), 1 - 2 * (x * x + z * z), 2 * (y * z - w * x)], axis=-1)
    row2 = jnp.stack([2 * (x * z - w * y), 2 * (y * z + w * x), 1 - 2 * (x * x + y * y)], axis=-1)
    return jnp.stack([row0, row1, row2], axis=-2)


def setup_inputs(seed: int = 0):
    key = jax.random.key(seed)
    k1, k2, k3, k4 = jax.random.split(key, 4)
    N, K = 200000, 32
    xyz = jax.random.normal(k1, (N, 3), dtype=jnp.float32)
    xyz_id = jax.random.randint(k2, (N,), 0, NUM_BINS, dtype=jnp.int32)
    rotation = jax.random.normal(k3, (N, 4), dtype=jnp.float32)
    knn_index = jax.random.randint(k4, (N, K), 0, N, dtype=jnp.int32)
    direct = 0
    return {"xyz": xyz, "xyz_id": xyz_id, "rotation": rotation, "knn_index": knn_index, "direct": direct}


def reference(xyz, xyz_id, rotation, knn_index, direct):
    # Gather K nearest neighbors for every point (SparseCore gather)
    nbr = jnp.take(xyz, knn_index, axis=0)            # [N, K, 3]
    diff = nbr - xyz[:, None, :]                      # [N, K, 3]
    d = jnp.sqrt(jnp.sum(diff * diff, axis=-1) + EPS)  # [N, K]
    per_pt_d = jnp.mean(d, axis=1)                    # [N]
    # Binning by instance id: mean knn distance per bin (scatter-add)
    sums = jax.ops.segment_sum(per_pt_d, xyz_id, num_segments=NUM_BINS)
    cnts = jax.ops.segment_sum(jnp.ones_like(per_pt_d), xyz_id, num_segments=NUM_BINS)
    mean_d = sums / jnp.maximum(cnts, 1.0)            # [NUM_BINS]
    # Distance regularity loss: deviation of each point's knn distance from its bin mean
    loss_d = jnp.mean(jnp.abs(per_pt_d - jnp.take(mean_d, xyz_id, axis=0)))
    # Elongation/normal alignment loss: the `direct` axis of each rotation should be
    # orthogonal to the local surface spanned by the knn neighborhood.
    R = quat_to_rotmat(rotation)                      # [N, 3, 3]
    axis = R[:, :, direct]                            # [N, 3]
    dirs = diff / d[..., None]                        # unit directions to neighbors
    cosang = jnp.einsum('nkc,nc->nk', dirs, axis)     # [N, K]
    loss_normal = jnp.mean(cosang * cosang)
    return (loss_d, loss_normal)

if __name__ == "__main__":
    import jax
    _d = setup_inputs()
    print(jax.jit(kernel)(*tuple(_d.values())))

</pallas_src>

<mosaic_0001>
#map = affine_map<(d0, d1) -> (0)>
#map1 = affine_map<(d0, d1) -> (0, 0)>
module attributes {stable_mosaic.version = 14 : i64} {
  func.func @_main_body(%arg0: i32, %arg1: i32, %arg2: memref<200000xf32, #tpu.memory_space<hbm>>, %arg3: memref<200000xf32, #tpu.memory_space<hbm>>, %arg4: memref<200000xf32, #tpu.memory_space<hbm>>, %arg5: memref<6400000xi32, #tpu.memory_space<hbm>>, %arg6: memref<625x2240xf32, #tpu.memory_space<hbm>>, %arg7: memref<200000xi32, #tpu.memory_space<hbm>>, %arg8: memref<16xi32, #tpu.memory_space<hbm>>, %arg9: memref<200000xf32, #tpu.memory_space<hbm>>, %arg10: memref<32x1024xf32, #tpu.memory_space<hbm>>, %arg11: memref<32x1024xf32, #tpu.memory_space<hbm>>, %arg12: memref<32x16xf32, #tpu.memory_space<hbm>>, %arg13: memref<200000xf32, #tpu.memory_space<vmem_shared>>, %arg14: memref<200000xf32, #tpu.memory_space<vmem_shared>>, %arg15: memref<200000xf32, #tpu.memory_space<vmem_shared>>, %arg16: memref<10240xi32, #tpu.memory_space<vmem>>, %arg17: memref<10272xi32, #tpu.memory_space<vmem>>, %arg18: memref<10272xf32, #tpu.memory_space<vmem>>, %arg19: memref<10272xf32, #tpu.memory_space<vmem>>, %arg20: memref<10272xf32, #tpu.memory_space<vmem>>, %arg21: memref<2240xf32, #tpu.memory_space<vmem>>, %arg22: memref<320xi32, #tpu.memory_space<vmem>>, %arg23: memref<960xf32, #tpu.memory_space<vmem>>, %arg24: memref<320xf32, #tpu.memory_space<vmem>>, %arg25: memref<16384xf32, #tpu.memory_space<vmem>>, %arg26: memref<16384xf32, #tpu.memory_space<vmem>>, %arg27: memref<1024xf32, #tpu.memory_space<vmem>>, %arg28: memref<16xf32, #tpu.memory_space<vmem>>, %arg29: memref<16xi32, #tpu.memory_space<vmem>>, %arg30: memref<!tpu.dma_semaphore, #tpu.memory_space<semaphore_mem>>) attributes {dimension_semantics = [#tpu.dimension_semantics<core_parallel>, #tpu.dimension_semantics<subcore_parallel>], iteration_bounds = array<i64: 2, 16>, scalar_prefetch = 0 : i64, scratch_operands = 18 : i64, tpu.core_type = #tpu.core_type<sc_vector_subcore>, window_params = [{transform_indices = #map}, {transform_indices = #map}, {transform_indices = #map}, {transform_indices = #map}, {transform_indices = #map1}, {transform_indices = #map}, {transform_indices = #map}, {transform_indices = #map}, {transform_indices = #map1}, {transform_indices = #map1}, {transform_indices = #map1}]} {
    %mul3A = arith.constant 2 : i32
    %mul3A_0 = arith.muli %arg1, %mul3A : i32
    %add3A = arith.addi %mul3A_0, %arg0 : i32
    %broadcast_in_dim3A = arith.constant 0.000000e+00 : f32
    %broadcast_in_dim3A_1 = vector.broadcast %broadcast_in_dim3A : f32 to vector<16xf32>
    %broadcast_in_dim3A_2 = arith.constant 1.000000e+00 : f32
    %broadcast_in_dim3A_3 = vector.broadcast %broadcast_in_dim3A_2 : f32 to vector<16xf32>
    %iota3A = tpu.iota {dimensions = array<i32: 0>} : vector<16xi32>
    %eq3A = arith.constant 0 : i32
    %eq3A_4 = arith.cmpi eq, %arg1, %eq3A : i32
    %convert_element_type3A = arith.extui %eq3A_4 : i1 to i32
    %cond3A = arith.constant 0 : i32
    %cond3A_5 = arith.cmpi ne, %convert_element_type3A, %cond3A : i32
    scf.if %cond3A_5 {
      "tpu.region"() ({
        %run_scoped3A = tpu.sem_alloc : memref<!tpu.dma_semaphore, #tpu.memory_space<semaphore_mem>>
        tpu.enqueue_dma source(%arg2 : memref<200000xf32, #tpu.memory_space<hbm>>) target(%arg13 : memref<200000xf32, #tpu.memory_space<vmem_shared>>) target_semaphore(%run_scoped3A : memref<!tpu.dma_semaphore, #tpu.memory_space<semaphore_mem>>)
        tpu.wait_dma2 semaphore(%run_scoped3A : memref<!tpu.dma_semaphore, #tpu.memory_space<semaphore_mem>>) src(%arg2 : memref<200000xf32, #tpu.memory_space<hbm>>) dst(%arg13 : memref<200000xf32, #tpu.memory_space<vmem_shared>>)
        tpu.yield
      }) : () -> ()
      "tpu.region"() ({
        %run_scoped3A = tpu.sem_alloc : memref<!tpu.dma_semaphore, #tpu.memory_space<semaphore_mem>>
        tpu.enqueue_dma source(%arg3 : memref<200000xf32, #tpu.memory_space<hbm>>) target(%arg14 : memref<200000xf32, #tpu.memory_space<vmem_shared>>) target_semaphore(%run_scoped3A : memref<!tpu.dma_semaphore, #tpu.memory_space<semaphore_mem>>)
        tpu.wait_dma2 semaphore(%run_scoped3A : memref<!tpu.dma_semaphore, #tpu.memory_space<semaphore_mem>>) src(%arg3 : memref<200000xf32, #tpu.memory_space<hbm>>) dst(%arg14 : memref<200000xf32, #tpu.memory_space<vmem_shared>>)
        tpu.yield
      }) : () -> ()
      "tpu.region"() ({
        %run_scoped3A = tpu.sem_alloc : memref<!tpu.dma_semaphore, #tpu.memory_space<semaphore_mem>>
        tpu.enqueue_dma source(%arg4 : memref<200000xf32, #tpu.memory_space<hbm>>) target(%arg15 : memref<200000xf32, #tpu.memory_space<vmem_shared>>) target_semaphore(%run_scoped3A : memref<!tpu.dma_semaphore, #tpu.memory_space<semaphore_mem>>)
        tpu.wait_dma2 semaphore(%run_scoped3A : memref<!tpu.dma_semaphore, #tpu.memory_space<semaphore_mem>>) src(%arg4 : memref<200000xf32, #tpu.memory_space<hbm>>) dst(%arg15 : memref<200000xf32, #tpu.memory_space<vmem_shared>>)
        tpu.yield
      }) : () -> ()
    } else {
    }
    %barrier3A = arith.constant 0 : index
    tpu.barrier barrier_id(%barrier3A)
    "tpu.region"() ({
      %run_scoped3A = tpu.sem_alloc : memref<!tpu.dma_semaphore, #tpu.memory_space<semaphore_mem>>
      tpu.enqueue_dma source(%arg8 : memref<16xi32, #tpu.memory_space<hbm>>) target(%arg29 : memref<16xi32, #tpu.memory_space<vmem>>) target_semaphore(%run_scoped3A : memref<!tpu.dma_semaphore, #tpu.memory_space<semaphore_mem>>)
      tpu.wait_dma2 semaphore(%run_scoped3A : memref<!tpu.dma_semaphore, #tpu.memory_space<semaphore_mem>>) src(%arg8 : memref<16xi32, #tpu.memory_space<hbm>>) dst(%arg29 : memref<16xi32, #tpu.memory_space<vmem>>)
      tpu.yield
    }) : () -> ()
    %swap3A = arith.constant 0 : index
    %swap3A_6 = tpu.vector_load %arg28[%swap3A] {strides = array<i32>} : memref<16xf32, #tpu.memory_space<vmem>>, vector<16xf32>,
    tpu.vector_store %arg28[%swap3A], %broadcast_in_dim3A_1 {strides = array<i32>} : memref<16xf32, #tpu.memory_space<vmem>>, vector<16xf32>,
    %broadcast_in_dim3A_7 = arith.constant 0 : i32
    %broadcast_in_dim3A_8 = vector.broadcast %broadcast_in_dim3A_7 : i32 to vector<16xi32>
    %mul3A_9 = arith.constant 321 : i32
    %mul3A_10 = vector.broadcast %mul3A_9 : i32 to vector<16xi32>
    %mul3A_11 = arith.muli %iota3A, %mul3A_10 : vector<16xi32>
    %add3A_12 = arith.constant 320 : i32
    %add3A_13 = vector.broadcast %add3A_12 : i32 to vector<16xi32>
    %add3A_14 = arith.addi %mul3A_11, %add3A_13 : vector<16xi32>
    tpu.vector_store_idx %arg17[%add3A_14], %broadcast_in_dim3A_8 : memref<10272xi32, #tpu.memory_space<vmem>>[vector<16xi32>], vector<16xi32>,
    %add3A_15 = arith.constant 5456 : i32
    %add3A_16 = vector.broadcast %add3A_15 : i32 to vector<16xi32>
    %add3A_17 = arith.addi %mul3A_11, %add3A_16 : vector<16xi32>
    tpu.vector_store_idx %arg17[%add3A_17], %broadcast_in_dim3A_8 : memref<10272xi32, #tpu.memory_space<vmem>>[vector<16xi32>], vector<16xi32>,
    %scan3A = arith.constant 0 : i32
    %scan3A_18 = arith.constant 0 : i32
    %scan3A_19 = arith.constant 1024 : i32
    %scan3A_20 = arith.addi %scan3A_18, %scan3A_19 : i32
    %scan3A_21 = arith.constant 1 : i32
    scf.for %scan3A_48 = %scan3A_18 to %scan3A_20 step %scan3A_21  : i32 {
      %mul3A_49 = arith.constant 16 : i32
      %mul3A_50 = arith.muli %scan3A_48, %mul3A_49 : i32
      %swap3A_51 = arith.index_cast %mul3A_50 : i32 to index
      %swap3A_52 = tpu.vector_load %arg25[%swap3A_51] {strides = array<i32>} : memref<16384xf32, #tpu.memory_space<vmem>>, vector<16xf32>,
      tpu.vector_store %arg25[%swap3A_51], %broadcast_in_dim3A_1 {strides = array<i32>} : memref<16384xf32, #tpu.memory_space<vmem>>, vector<16xf32>,
      %mul3A_53 = arith.constant 16 : i32
      %mul3A_54 = arith.muli %scan3A_48, %mul3A_53 : i32
      %swap3A_55 = arith.index_cast %mul3A_54 : i32 to index
      %swap3A_56 = tpu.vector_load %arg26[%swap3A_55] {strides = array<i32>} : memref<16384xf32, #tpu.memory_space<vmem>>, vector<16xf32>,
      tpu.vector_store %arg26[%swap3A_55], %broadcast_in_dim3A_1 {strides = array<i32>} : memref<16384xf32, #tpu.memory_space<vmem>>, vector<16xf32>,
    }
    %scan3A_22 = arith.constant 1024 : i32
    %get3A = arith.constant 0 : index
    %get3A_23 = tpu.vector_load %arg29[%get3A] {strides = array<i32>} : memref<16xi32, #tpu.memory_space<vmem>>, vector<16xi32>,
    %eq3A_24 = arith.constant 0 : i32
    %eq3A_25 = vector.broadcast %eq3A_24 : i32 to vector<16xi32>
    %eq3A_26 = arith.cmpi eq, %get3A_23, %eq3A_25 : vector<16xi32>
    %eq3A_27 = arith.constant 1 : i32
    %eq3A_28 = vector.broadcast %eq3A_27 : i32 to vector<16xi32>
    %eq3A_29 = arith.cmpi eq, %get3A_23, %eq3A_28 : vector<16xi32>
    %scan3A_30 = arith.constant 0 : i32
    %scan3A_31 = arith.constant 0 : i32
    %scan3A_32 = arith.constant 20 : i32
    %scan3A_33 = arith.addi %scan3A_31, %scan3A_32 : i32
    %scan3A_34 = arith.constant 1 : i32
    scf.for %scan3A_48 = %scan3A_31 to %scan3A_33 step %scan3A_34  : i32 {
      %mul3A_49 = arith.constant 32 : i32
      %mul3A_50 = arith.muli %scan3A_48, %mul3A_49 : i32
      %add3A_51 = arith.addi %add3A, %mul3A_50 : i32
      %lt3A = arith.constant 625 : i32
      %lt3A_52 = arith.cmpi slt, %add3A_51, %lt3A : i32
      %convert_element_type3A_53 = arith.extui %lt3A_52 : i1 to i32
      %cond3A_54 = arith.constant 0 : i32
      %cond3A_55 = arith.cmpi ne, %convert_element_type3A_53, %cond3A_54 : i32
      scf.if %cond3A_55 {
        %mul3A_56 = arith.constant 320 : i32
        %mul3A_57 = arith.muli %add3A_51, %mul3A_56 : i32
        %mul3A_58 = arith.constant 32 : i32
        %mul3A_59 = arith.muli %mul3A_57, %mul3A_58 : i32
        "tpu.region"() ({
          %run_scoped3A = tpu.sem_alloc : memref<!tpu.dma_semaphore, #tpu.memory_space<semaphore_mem>>
          %dma_start3A_88 = tpu.memref_slice %arg5[%mul3A_59] : memref<6400000xi32, #tpu.memory_space<hbm>> -> memref<10240xi32, #tpu.memory_space<hbm>>
          %dma_start3A_89 = tpu.memref_slice %arg5[%mul3A_59] : memref<6400000xi32, #tpu.memory_space<hbm>> -> memref<10240xi32, #tpu.memory_space<hbm>>
          tpu.enqueue_dma source(%dma_start3A_89 : memref<10240xi32, #tpu.memory_space<hbm>>) target(%arg16 : memref<10240xi32, #tpu.memory_space<vmem>>) target_semaphore(%run_scoped3A : memref<!tpu.dma_semaphore, #tpu.memory_space<semaphore_mem>>)
          %dma_wait3A_90 = tpu.memref_slice %arg5[%mul3A_59] : memref<6400000xi32, #tpu.memory_space<hbm>> -> memref<10240xi32, #tpu.memory_space<hbm>>
          %dma_wait3A_91 = tpu.memref_slice %arg5[%mul3A_59] : memref<6400000xi32, #tpu.memory_space<hbm>> -> memref<10240xi32, #tpu.memory_space<hbm>>
          tpu.wait_dma2 semaphore(%run_scoped3A : memref<!tpu.dma_semaphore, #tpu.memory_space<semaphore_mem>>) src(%dma_wait3A_91 : memref<10240xi32, #tpu.memory_space<hbm>>) dst(%arg16 : memref<10240xi32, #tpu.memory_space<vmem>>)
          tpu.yield
        }) : () -> ()
        "tpu.region"() ({
          %run_scoped3A = tpu.sem_alloc : memref<!tpu.dma_semaphore, #tpu.memory_space<semaphore_mem>>
          %dma_start3A_88 = arith.constant 0 : i32
          %dma_start3A_89 = tpu.memref_slice %arg6[%add3A_51, %dma_start3A_88] : memref<625x2240xf32, #tpu.memory_space<hbm>> -> memref<1x2240xf32, #tpu.memory_space<hbm>>
          %dma_start3A_90 = tpu.memref_squeeze %dma_start3A_89 : memref<1x2240xf32, #tpu.memory_space<hbm>> -> memref<2240xf32, #tpu.memory_space<hbm>>
          %dma_start3A_91 = arith.constant 0 : i32
          %dma_start3A_92 = tpu.memref_slice %arg6[%add3A_51, %dma_start3A_91] : memref<625x2240xf32, #tpu.memory_space<hbm>> -> memref<1x2240xf32, #tpu.memory_space<hbm>>
          %dma_start3A_93 = tpu.memref_squeeze %dma_start3A_92 : memref<1x2240xf32, #tpu.memory_space<hbm>> -> memref<2240xf32, #tpu.memory_space<hbm>>
          tpu.enqueue_dma source(%dma_start3A_93 : memref<2240xf32, #tpu.memory_space<hbm>>) target(%arg21 : memref<2240xf32, #tpu.memory_space<vmem>>) target_semaphore(%run_scoped3A : memref<!tpu.dma_semaphore, #tpu.memory_space<semaphore_mem>>)
          %dma_wait3A_94 = arith.constant 0 : i32
          %dma_wait3A_95 = tpu.memref_slice %arg6[%add3A_51, %dma_wait3A_94] : memref<625x2240xf32, #tpu.memory_space<hbm>> -> memref<1x2240xf32, #tpu.memory_space<hbm>>
          %dma_wait3A_96 = tpu.memref_squeeze %dma_wait3A_95 : memref<1x2240xf32, #tpu.memory_space<hbm>> -> memref<2240xf32, #tpu.memory_space<hbm>>
          %dma_wait3A_97 = arith.constant 0 : i32
          %dma_wait3A_98 = tpu.memref_slice %arg6[%add3A_51, %dma_wait3A_97] : memref<625x2240xf32, #tpu.memory_space<hbm>> -> memref<1x2240xf32, #tpu.memory_space<hbm>>
          %dma_wait3A_99 = tpu.memref_squeeze %dma_wait3A_98 : memref<1x2240xf32, #tpu.memory_space<hbm>> -> memref<2240xf32, #tpu.memory_space<hbm>>
          tpu.wait_dma2 semaphore(%run_scoped3A : memref<!tpu.dma_semaphore, #tpu.memory_space<semaphore_mem>>) src(%dma_wait3A_99 : memref<2240xf32, #tpu.memory_space<hbm>>) dst(%arg21 : memref<2240xf32, #tpu.memory_space<vmem>>)
          tpu.yield
        }) : () -> ()
        "tpu.region"() ({
          %run_scoped3A = tpu.sem_alloc : memref<!tpu.dma_semaphore, #tpu.memory_space<semaphore_mem>>
          %dma_start3A_88 = tpu.memref_slice %arg7[%mul3A_57] : memref<200000xi32, #tpu.memory_space<hbm>> -> memref<320xi32, #tpu.memory_space<hbm>>
          %dma_start3A_89 = tpu.memref_slice %arg7[%mul3A_57] : memref<200000xi32, #tpu.memory_space<hbm>> -> memref<320xi32, #tpu.memory_space<hbm>>
          tpu.enqueue_dma source(%dma_start3A_89 : memref<320xi32, #tpu.memory_space<hbm>>) target(%arg22 : memref<320xi32, #tpu.memory_space<vmem>>) target_semaphore(%run_scoped3A : memref<!tpu.dma_semaphore, #tpu.memory_space<semaphore_mem>>)
          %dma_wait3A_90 = tpu.memref_slice %arg7[%mul3A_57] : memref<200000xi32, #tpu.memory_space<hbm>> -> memref<320xi32, #tpu.memory_space<hbm>>
          %dma_wait3A_91 = tpu.memref_slice %arg7[%mul3A_57] : memref<200000xi32, #tpu.memory_space<hbm>> -> memref<320xi32, #tpu.memory_space<hbm>>
          tpu.wait_dma2 semaphore(%run_scoped3A : memref<!tpu.dma_semaphore, #tpu.memory_space<semaphore_mem>>) src(%dma_wait3A_91 : memref<320xi32, #tpu.memory_space<hbm>>) dst(%arg22 : memref<320xi32, #tpu.memory_space<vmem>>)
          tpu.yield
        }) : () -> ()
        %scan3A_60 = arith.constant 0 : i32
        %scan3A_61 = arith.constant 0 : i32
        %scan3A_62 = arith.constant 320 : i32
        %scan3A_63 = arith.addi %scan3A_61, %scan3A_62 : i32
        %scan3A_64 = arith.constant 1 : i32
        scf.for %scan3A_88 = %scan3A_61 to %scan3A_63 step %scan3A_64  : i32 {
          %mul3A_89 = arith.constant 32 : i32
          %mul3A_90 = arith.muli %scan3A_88, %mul3A_89 : i32
          %get3A_91 = arith.index_cast %mul3A_90 : i32 to index
          %get3A_92 = tpu.vector_load %arg16[%get3A_91] {strides = array<i32>} : memref<10240xi32, #tpu.memory_space<vmem>>, vector<16xi32>,
          %mul3A_93 = arith.constant 32 : i32
          %mul3A_94 = arith.muli %scan3A_88, %mul3A_93 : i32
          %add3A_95 = arith.constant 16 : i32
          %add3A_96 = arith.addi %mul3A_94, %add3A_95 : i32
          %get3A_97 = arith.index_cast %add3A_96 : i32 to index
          %get3A_98 = tpu.vector_load %arg16[%get3A_97] {strides = array<i32>} : memref<10240xi32, #tpu.memory_space<vmem>>, vector<16xi32>,
          %add3A_99 = vector.broadcast %scan3A_88 : i32 to vector<16xi32>
          %add3A_100 = arith.addi %mul3A_11, %add3A_99 : vector<16xi32>
          tpu.vector_store_idx %arg17[%add3A_100], %get3A_92 : memref<10272xi32, #tpu.memory_space<vmem>>[vector<16xi32>], vector<16xi32>,
          %add3A_101 = arith.constant 5136 : i32
          %add3A_102 = arith.addi %add3A_101, %scan3A_88 : i32
          %add3A_103 = vector.broadcast %add3A_102 : i32 to vector<16xi32>
          %add3A_104 = arith.addi %mul3A_11, %add3A_103 : vector<16xi32>
          tpu.vector_store_idx %arg17[%add3A_104], %get3A_98 : memref<10272xi32, #tpu.memory_space<vmem>>[vector<16xi32>], vector<16xi32>,
        }
        %scan3A_65 = arith.constant 320 : i32
        %dma_start3A = arith.constant 0 : i32
        %dma_start3A_66 = tpu.memref_slice %arg13[%dma_start3A] : memref<200000xf32, #tpu.memory_space<vmem_shared>> -> memref<200000xf32, #tpu.memory_space<vmem_shared>>
        tpu.enqueue_indirect_dma source(%dma_start3A_66 : memref<200000xf32, #tpu.memory_space<vmem_shared>>) target(%arg18 : memref<10272xf32, #tpu.memory_space<vmem>>) offsets(%arg17 : memref<10272xi32, #tpu.memory_space<vmem>>) semaphore(%arg30 : memref<!tpu.dma_semaphore, #tpu.memory_space<semaphore_mem>>)
        %dma_start3A_67 = arith.constant 0 : i32
        %dma_start3A_68 = tpu.memref_slice %arg14[%dma_start3A_67] : memref<200000xf32, #tpu.memory_space<vmem_shared>> -> memref<200000xf32, #tpu.memory_space<vmem_shared>>
        tpu.enqueue_indirect_dma source(%dma_start3A_68 : memref<200000xf32, #tpu.memory_space<vmem_shared>>) target(%arg19 : memref<10272xf32, #tpu.memory_space<vmem>>) offsets(%arg17 : memref<10272xi32, #tpu.memory_space<vmem>>) semaphore(%arg30 : memref<!tpu.dma_semaphore, #tpu.memory_space<semaphore_mem>>)
        %dma_start3A_69 = arith.constant 0 : i32
        %dma_start3A_70 = tpu.memref_slice %arg15[%dma_start3A_69] : memref<200000xf32, #tpu.memory_space<vmem_shared>> -> memref<200000xf32, #tpu.memory_space<vmem_shared>>
        tpu.enqueue_indirect_dma source(%dma_start3A_70 : memref<200000xf32, #tpu.memory_space<vmem_shared>>) target(%arg20 : memref<10272xf32, #tpu.memory_space<vmem>>) offsets(%arg17 : memref<10272xi32, #tpu.memory_space<vmem>>) semaphore(%arg30 : memref<!tpu.dma_semaphore, #tpu.memory_space<semaphore_mem>>)
        %scan3A_71 = arith.constant 0 : i32
        %scan3A_72 = arith.constant 0 : i32
        %scan3A_73 = arith.constant 20 : i32
        %scan3A_74 = arith.addi %scan3A_72, %scan3A_73 : i32
        %scan3A_75 = arith.constant 1 : i32
        scf.for %scan3A_88 = %scan3A_72 to %scan3A_74 step %scan3A_75  : i32 {
          %mul3A_89 = arith.constant 16 : i32
          %mul3A_90 = arith.muli %scan3A_88, %mul3A_89 : i32
          %add3A_91 = arith.constant 960 : i32
          %add3A_92 = arith.addi %add3A_91, %mul3A_90 : i32
          %get3A_93 = arith.index_cast %add3A_92 : i32 to index
          %get3A_94 = tpu.vector_load %arg21[%get3A_93] {strides = array<i32>} : memref<2240xf32, #tpu.memory_space<vmem>>, vector<16xf32>,
          %add3A_95 = arith.constant 1280 : i32
          %add3A_96 = arith.addi %add3A_95, %mul3A_90 : i32
          %get3A_97 = arith.index_cast %add3A_96 : i32 to index
          %get3A_98 = tpu.vector_load %arg21[%get3A_97] {strides = array<i32>} : memref<2240xf32, #tpu.memory_space<vmem>>, vector<16xf32>,
          %add3A_99 = arith.constant 1600 : i32
          %add3A_100 = arith.addi %add3A_99, %mul3A_90 : i32
          %get3A_101 = arith.index_cast %add3A_100 : i32 to index
          %get3A_102 = tpu.vector_load %arg21[%get3A_101] {strides = array<i32>} : memref<2240xf32, #tpu.memory_space<vmem>>, vector<16xf32>,
          %add3A_103 = arith.constant 1920 : i32
          %add3A_104 = arith.addi %add3A_103, %mul3A_90 : i32
          %get3A_105 = arith.index_cast %add3A_104 : i32 to index
          %get3A_106 = tpu.vector_load %arg21[%get3A_105] {strides = array<i32>} : memref<2240xf32, #tpu.memory_space<vmem>>, vector<16xf32>,
          %mul3A_107 = arith.mulf %get3A_94, %get3A_94 : vector<16xf32>
          %mul3A_108 = arith.mulf %get3A_98, %get3A_98 : vector<16xf32>
          %add3A_109 = arith.addf %mul3A_107, %mul3A_108 : vector<16xf32>
          %mul3A_110 = arith.mulf %get3A_102, %get3A_102 : vector<16xf32>
          %add3A_111 = arith.addf %add3A_109, %mul3A_110 : vector<16xf32>
          %mul3A_112 = arith.mulf %get3A_106, %get3A_106 : vector<16xf32>
          %add3A_113 = arith.addf %add3A_111, %mul3A_112 : vector<16xf32>
          %add3A_114 = arith.constant 9.99999993E-9 : f32
          %add3A_115 = vector.broadcast %add3A_114 : f32 to vector<16xf32>
          %add3A_116 = arith.addf %add3A_113, %add3A_115 : vector<16xf32>
          %bitcast_convert_type3A = tpu.bitcast %add3A_116 : vector<16xf32> -> vector<16xi32>
          %shift_right_arithmetic3A = arith.constant 1 : i32
          %shift_right_arithmetic3A_117 = vector.broadcast %shift_right_arithmetic3A : i32 to vector<16xi32>
          %shift_right_arithmetic3A_118 = arith.shrsi %bitcast_convert_type3A, %shift_right_arithmetic3A_117 : vector<16xi32>
          %sub3A = arith.constant 1597463007 : i32
          %sub3A_119 = vector.broadcast %sub3A : i32 to vector<16xi32>
          %sub3A_120 = arith.subi %sub3A_119, %shift_right_arithmetic3A_118 : vector<16xi32>
          %bitcast_convert_type3A_121 = tpu.bitcast %sub3A_120 : vector<16xi32> -> vector<16xf32>
          %mul3A_122 = arith.constant 5.000000e-01 : f32
          %mul3A_123 = vector.broadcast %mul3A_122 : f32 to vector<16xf32>
          %mul3A_124 = arith.mulf %mul3A_123, %add3A_116 : vector<16xf32>
          %mul3A_125 = arith.mulf %mul3A_124, %bitcast_convert_type3A_121 : vector<16xf32>
          %mul3A_126 = arith.mulf %mul3A_125, %bitcast_convert_type3A_121 : vector<16xf32>
          %sub3A_127 = arith.constant 1.500000e+00 : f32
          %sub3A_128 = vector.broadcast %sub3A_127 : f32 to vector<16xf32>
          %sub3A_129 = arith.subf %sub3A_128, %mul3A_126 : vector<16xf32>
          %mul3A_130 = arith.mulf %bitcast_convert_type3A_121, %sub3A_129 : vector<16xf32>
          %mul3A_131 = arith.constant 5.000000e-01 : f32
          %mul3A_132 = vector.broadcast %mul3A_131 : f32 to vector<16xf32>
          %mul3A_133 = arith.mulf %mul3A_132, %add3A_116 : vector<16xf32>
          %mul3A_134 = arith.mulf %mul3A_133, %mul3A_130 : vector<16xf32>
          %mul3A_135 = arith.mulf %mul3A_134, %mul3A_130 : vector<16xf32>
          %sub3A_136 = arith.constant 1.500000e+00 : f32
          %sub3A_137 = vector.broadcast %sub3A_136 : f32 to vector<16xf32>
          %sub3A_138 = arith.subf %sub3A_137, %mul3A_135 : vector<16xf32>
          %mul3A_139 = arith.mulf %mul3A_130, %sub3A_138 : vector<16xf32>
          %add3A_140 = arith.constant 9.99999993E-9 : f32
          %add3A_141 = vector.broadcast %add3A_140 : f32 to vector<16xf32>
          %add3A_142 = arith.addf %add3A_113, %add3A_141 : vector<16xf32>
          %mul3A_143 = arith.mulf %add3A_142, %mul3A_139 : vector<16xf32>
          %add3A_144 = arith.constant 9.99999993E-9 : f32
          %add3A_145 = vector.broadcast %add3A_144 : f32 to vector<16xf32>
          %add3A_146 = arith.addf %mul3A_143, %add3A_145 : vector<16xf32>
          %div3A = arith.constant 1.000000e+00 : f32
          %div3A_147 = vector.broadcast %div3A : f32 to vector<16xf32>
          %div3A_148 = arith.divf %div3A_147, %add3A_146 : vector<16xf32>
          %mul3A_149 = arith.mulf %get3A_94, %div3A_148 : vector<16xf32>
          %mul3A_150 = arith.mulf %get3A_98, %div3A_148 : vector<16xf32>
          %mul3A_151 = arith.mulf %get3A_102, %div3A_148 : vector<16xf32>
          %mul3A_152 = arith.mulf %get3A_106, %div3A_148 : vector<16xf32>
          %mul3A_153 = arith.mulf %mul3A_150, %mul3A_151 : vector<16xf32>
          %mul3A_154 = arith.mulf %mul3A_149, %mul3A_152 : vector<16xf32>
          %mul3A_155 = arith.mulf %mul3A_150, %mul3A_152 : vector<16xf32>
          %mul3A_156 = arith.mulf %mul3A_149, %mul3A_151 : vector<16xf32>
          %mul3A_157 = arith.mulf %mul3A_151, %mul3A_152 : vector<16xf32>
          %mul3A_158 = arith.mulf %mul3A_149, %mul3A_150 : vector<16xf32>
          %mul3A_159 = arith.mulf %mul3A_150, %mul3A_150 : vector<16xf32>
          %mul3A_160 = arith.mulf %mul3A_151, %mul3A_151 : vector<16xf32>
          %mul3A_161 = arith.mulf %mul3A_152, %mul3A_152 : vector<16xf32>
          %add3A_162 = arith.addf %mul3A_160, %mul3A_161 : vector<16xf32>
          %mul3A_163 = arith.constant 2.000000e+00 : f32
          %mul3A_164 = vector.broadcast %mul3A_163 : f32 to vector<16xf32>
          %mul3A_165 = arith.mulf %mul3A_164, %add3A_162 : vector<16xf32>
          %sub3A_166 = arith.constant 1.000000e+00 : f32
          %sub3A_167 = vector.broadcast %sub3A_166 : f32 to vector<16xf32>
          %sub3A_168 = arith.subf %sub3A_167, %mul3A_165 : vector<16xf32>
          %sub3A_169 = arith.subf %mul3A_153, %mul3A_154 : vector<16xf32>
          %mul3A_170 = arith.constant 2.000000e+00 : f32
          %mul3A_171 = vector.broadcast %mul3A_170 : f32 to vector<16xf32>
          %mul3A_172 = arith.mulf %mul3A_171, %sub3A_169 : vector<16xf32>
          %add3A_173 = arith.addf %mul3A_155, %mul3A_156 : vector<16xf32>
          %mul3A_174 = arith.constant 2.000000e+00 : f32
          %mul3A_175 = vector.broadcast %mul3A_174 : f32 to vector<16xf32>
          %mul3A_176 = arith.mulf %mul3A_175, %add3A_173 : vector<16xf32>
          %select_n3A = arith.select %eq3A_29, %mul3A_172, %mul3A_176 : vector<16xi1>, vector<16xf32>
          %select_n3A_177 = arith.select %eq3A_26, %sub3A_168, %select_n3A : vector<16xi1>, vector<16xf32>
          %add3A_178 = arith.addf %mul3A_153, %mul3A_154 : vector<16xf32>
          %mul3A_179 = arith.constant 2.000000e+00 : f32
          %mul3A_180 = vector.broadcast %mul3A_179 : f32 to vector<16xf32>
          %mul3A_181 = arith.mulf %mul3A_180, %add3A_178 : vector<16xf32>
          %add3A_182 = arith.addf %mul3A_159, %mul3A_161 : vector<16xf32>
          %mul3A_183 = arith.constant 2.000000e+00 : f32
          %mul3A_184 = vector.broadcast %mul3A_183 : f32 to vector<16xf32>
          %mul3A_185 = arith.mulf %mul3A_184, %add3A_182 : vector<16xf32>
          %sub3A_186 = arith.constant 1.000000e+00 : f32
          %sub3A_187 = vector.broadcast %sub3A_186 : f32 to vector<16xf32>
          %sub3A_188 = arith.subf %sub3A_187, %mul3A_185 : vector<16xf32>
          %sub3A_189 = arith.subf %mul3A_157, %mul3A_158 : vector<16xf32>
          %mul3A_190 = arith.constant 2.000000e+00 : f32
          %mul3A_191 = vector.broadcast %mul3A_190 : f32 to vector<16xf32>
          %mul3A_192 = arith.mulf %mul3A_191, %sub3A_189 : vector<16xf32>
          %select_n3A_193 = arith.select %eq3A_29, %sub3A_188, %mul3A_192 : vector<16xi1>, vector<16xf32>
          %select_n3A_194 = arith.select %eq3A_26, %mul3A_181, %select_n3A_193 : vector<16xi1>, vector<16xf32>
          %sub3A_195 = arith.subf %mul3A_155, %mul3A_156 : vector<16xf32>
          %mul3A_196 = arith.constant 2.000000e+00 : f32
          %mul3A_197 = vector.broadcast %mul3A_196 : f32 to vector<16xf32>
          %mul3A_198 = arith.mulf %mul3A_197, %sub3A_195 : vector<16xf32>
          %add3A_199 = arith.addf %mul3A_157, %mul3A_158 : vector<16xf32>
          %mul3A_200 = arith.constant 2.000000e+00 : f32
          %mul3A_201 = vector.broadcast %mul3A_200 : f32 to vector<16xf32>
          %mul3A_202 = arith.mulf %mul3A_201, %add3A_199 : vector<16xf32>
          %add3A_203 = arith.addf %mul3A_159, %mul3A_160 : vector<16xf32>
          %mul3A_204 = arith.constant 2.000000e+00 : f32
          %mul3A_205 = vector.broadcast %mul3A_204 : f32 to vector<16xf32>
          %mul3A_206 = arith.mulf %mul3A_205, %add3A_203 : vector<16xf32>
          %sub3A_207 = arith.constant 1.000000e+00 : f32
          %sub3A_208 = vector.broadcast %sub3A_207 : f32 to vector<16xf32>
          %sub3A_209 = arith.subf %sub3A_208, %mul3A_206 : vector<16xf32>
          %select_n3A_210 = arith.select %eq3A_29, %mul3A_202, %sub3A_209 : vector<16xi1>, vector<16xf32>
          %select_n3A_211 = arith.select %eq3A_26, %mul3A_198, %select_n3A_210 : vector<16xi1>, vector<16xf32>
          %swap3A_212 = arith.index_cast %mul3A_90 : i32 to index
          %swap3A_213 = tpu.vector_load %arg23[%swap3A_212] {strides = array<i32>} : memref<960xf32, #tpu.memory_space<vmem>>, vector<16xf32>,
          tpu.vector_store %arg23[%swap3A_212], %select_n3A_177 {strides = array<i32>} : memref<960xf32, #tpu.memory_space<vmem>>, vector<16xf32>,
          %add3A_214 = arith.constant 320 : i32
          %add3A_215 = arith.addi %add3A_214, %mul3A_90 : i32
          %swap3A_216 = arith.index_cast %add3A_215 : i32 to index
          %swap3A_217 = tpu.vector_load %arg23[%swap3A_216] {strides = array<i32>} : memref<960xf32, #tpu.memory_space<vmem>>, vector<16xf32>,
          tpu.vector_store %arg23[%swap3A_216], %select_n3A_194 {strides = array<i32>} : memref<960xf32, #tpu.memory_space<vmem>>, vector<16xf32>,
          %add3A_218 = arith.constant 640 : i32
          %add3A_219 = arith.addi %add3A_218, %mul3A_90 : i32
          %swap3A_220 = arith.index_cast %add3A_219 : i32 to index
          %swap3A_221 = tpu.vector_load %arg23[%swap3A_220] {strides = array<i32>} : memref<960xf32, #tpu.memory_space<vmem>>, vector<16xf32>,
          tpu.vector_store %arg23[%swap3A_220], %select_n3A_211 {strides = array<i32>} : memref<960xf32, #tpu.memory_space<vmem>>, vector<16xf32>,
        }
        %scan3A_76 = arith.constant 20 : i32
        %dma_wait3A = arith.constant 0 : i32
        %dma_wait3A_77 = tpu.memref_slice %arg13[%dma_wait3A] : memref<200000xf32, #tpu.memory_space<vmem_shared>> -> memref<200000xf32, #tpu.memory_space<vmem_shared>>
        tpu.wait_indirect_dma semaphore(%arg30 : memref<!tpu.dma_semaphore, #tpu.memory_space<semaphore_mem>>) src(%dma_wait3A_77 : memref<200000xf32, #tpu.memory_space<vmem_shared>>) dst(%arg18 : memref<10272xf32, #tpu.memory_space<vmem>>)
        %dma_wait3A_78 = arith.constant 0 : i32
        %dma_wait3A_79 = tpu.memref_slice %arg14[%dma_wait3A_78] : memref<200000xf32, #tpu.memory_space<vmem_shared>> -> memref<200000xf32, #tpu.memory_space<vmem_shared>>
        tpu.wait_indirect_dma semaphore(%arg30 : memref<!tpu.dma_semaphore, #tpu.memory_space<semaphore_mem>>) src(%dma_wait3A_79 : memref<200000xf32, #tpu.memory_space<vmem_shared>>) dst(%arg19 : memref<10272xf32, #tpu.memory_space<vmem>>)
        %dma_wait3A_80 = arith.constant 0 : i32
        %dma_wait3A_81 = tpu.memref_slice %arg15[%dma_wait3A_80] : memref<200000xf32, #tpu.memory_space<vmem_shared>> -> memref<200000xf32, #tpu.memory_space<vmem_shared>>
        tpu.wait_indirect_dma semaphore(%arg30 : memref<!tpu.dma_semaphore, #tpu.memory_space<semaphore_mem>>) src(%dma_wait3A_81 : memref<200000xf32, #tpu.memory_space<vmem_shared>>) dst(%arg20 : memref<10272xf32, #tpu.memory_space<vmem>>)
        %scan3A_82 = arith.constant 0 : i32
        %scan3A_83 = arith.constant 0 : i32
        %scan3A_84 = arith.constant 20 : i32
        %scan3A_85 = arith.addi %scan3A_83, %scan3A_84 : i32
        %scan3A_86 = arith.constant 1 : i32
        scf.for %scan3A_88 = %scan3A_83 to %scan3A_85 step %scan3A_86  : i32 {
          %mul3A_89 = arith.constant 16 : i32
          %mul3A_90 = arith.muli %scan3A_88, %mul3A_89 : i32
          %get3A_91 = arith.index_cast %mul3A_90 : i32 to index
          %get3A_92 = tpu.vector_load %arg21[%get3A_91] {strides = array<i32>} : memref<2240xf32, #tpu.memory_space<vmem>>, vector<16xf32>,
          %add3A_93 = arith.constant 320 : i32
          %add3A_94 = arith.addi %add3A_93, %mul3A_90 : i32
          %get3A_95 = arith.index_cast %add3A_94 : i32 to index
          %get3A_96 = tpu.vector_load %arg21[%get3A_95] {strides = array<i32>} : memref<2240xf32, #tpu.memory_space<vmem>>, vector<16xf32>,
          %add3A_97 = arith.constant 640 : i32
          %add3A_98 = arith.addi %add3A_97, %mul3A_90 : i32
          %get3A_99 = arith.index_cast %add3A_98 : i32 to index
          %get3A_100 = tpu.vector_load %arg21[%get3A_99] {strides = array<i32>} : memref<2240xf32, #tpu.memory_space<vmem>>, vector<16xf32>,
          %get3A_101 = arith.index_cast %mul3A_90 : i32 to index
          %get3A_102 = tpu.vector_load %arg23[%get3A_101] {strides = array<i32>} : memref<960xf32, #tpu.memory_space<vmem>>, vector<16xf32>,
          %add3A_103 = arith.constant 320 : i32
          %add3A_104 = arith.addi %add3A_103, %mul3A_90 : i32
          %get3A_105 = arith.index_cast %add3A_104 : i32 to index
          %get3A_106 = tpu.vector_load %arg23[%get3A_105] {strides = array<i32>} : memref<960xf32, #tpu.memory_space<vmem>>, vector<16xf32>,
          %add3A_107 = arith.constant 640 : i32
          %add3A_108 = arith.addi %add3A_107, %mul3A_90 : i32
          %get3A_109 = arith.index_cast %add3A_108 : i32 to index
          %get3A_110 = tpu.vector_load %arg23[%get3A_109] {strides = array<i32>} : memref<960xf32, #tpu.memory_space<vmem>>, vector<16xf32>,
          %scan3A_111 = arith.constant 0 : i32
          %scan3A_112 = arith.constant 32 : i32
          %scan3A_113 = arith.addi %scan3A_111, %scan3A_112 : i32
          %scan3A_114 = arith.constant 1 : i32
          %scan3A_115:2 = scf.for %scan3A_133 = %scan3A_111 to %scan3A_113 step %scan3A_114 iter_args(%scan3A_134 = %broadcast_in_dim3A_1, %scan3A_135 = %broadcast_in_dim3A_1) -> (vector<16xf32>, vector<16xf32>)  : i32 {
            %mul3A_136 = arith.constant 321 : i32
            %mul3A_137 = arith.muli %scan3A_133, %mul3A_136 : i32
            %add3A_138 = arith.addi %mul3A_137, %mul3A_90 : i32
            %get3A_139 = arith.index_cast %add3A_138 : i32 to index
            %get3A_140 = tpu.vector_load %arg18[%get3A_139] {strides = array<i32>} : memref<10272xf32, #tpu.memory_space<vmem>>, vector<16xf32>,
            %get3A_141 = arith.index_cast %add3A_138 : i32 to index
            %get3A_142 = tpu.vector_load %arg19[%get3A_141] {strides = array<i32>} : memref<10272xf32, #tpu.memory_space<vmem>>, vector<16xf32>,
            %get3A_143 = arith.index_cast %add3A_138 : i32 to index
            %get3A_144 = tpu.vector_load %arg20[%get3A_143] {strides = array<i32>} : memref<10272xf32, #tpu.memory_space<vmem>>, vector<16xf32>,
            %sub3A = arith.subf %get3A_140, %get3A_92 : vector<16xf32>
            %sub3A_145 = arith.subf %get3A_142, %get3A_96 : vector<16xf32>
            %sub3A_146 = arith.subf %get3A_144, %get3A_100 : vector<16xf32>
            %mul3A_147 = arith.mulf %sub3A, %sub3A : vector<16xf32>
            %mul3A_148 = arith.mulf %sub3A_145, %sub3A_145 : vector<16xf32>
            %add3A_149 = arith.addf %mul3A_147, %mul3A_148 : vector<16xf32>
            %mul3A_150 = arith.mulf %sub3A_146, %sub3A_146 : vector<16xf32>
            %add3A_151 = arith.addf %add3A_149, %mul3A_150 : vector<16xf32>
            %add3A_152 = arith.constant 9.99999993E-9 : f32
            %add3A_153 = vector.broadcast %add3A_152 : f32 to vector<16xf32>
            %add3A_154 = arith.addf %add3A_151, %add3A_153 : vector<16xf32>
            %bitcast_convert_type3A = tpu.bitcast %add3A_154 : vector<16xf32> -> vector<16xi32>
            %shift_right_arithmetic3A = arith.constant 1 : i32
            %shift_right_arithmetic3A_155 = vector.broadcast %shift_right_arithmetic3A : i32 to vector<16xi32>
            %shift_right_arithmetic3A_156 = arith.shrsi %bitcast_convert_type3A, %shift_right_arithmetic3A_155 : vector<16xi32>
            %sub3A_157 = arith.constant 1597463174 : i32
            %sub3A_158 = vector.broadcast %sub3A_157 : i32 to vector<16xi32>
            %sub3A_159 = arith.subi %sub3A_158, %shift_right_arithmetic3A_156 : vector<16xi32>
            %bitcast_convert_type3A_160 = tpu.bitcast %sub3A_159 : vector<16xi32> -> vector<16xf32>
            %mul3A_161 = arith.constant 5.000000e-01 : f32
            %mul3A_162 = vector.broadcast %mul3A_161 : f32 to vector<16xf32>
            %mul3A_163 = arith.mulf %mul3A_162, %add3A_154 : vector<16xf32>
            %mul3A_164 = arith.mulf %mul3A_163, %bitcast_convert_type3A_160 : vector<16xf32>
            %mul3A_165 = arith.mulf %mul3A_164, %bitcast_convert_type3A_160 : vector<16xf32>
            %sub3A_166 = arith.constant 1.50087893 : f32
            %sub3A_167 = vector.broadcast %sub3A_166 : f32 to vector<16xf32>
            %sub3A_168 = arith.subf %sub3A_167, %mul3A_165 : vector<16xf32>
            %mul3A_169 = arith.mulf %bitcast_convert_type3A_160, %sub3A_168 : vector<16xf32>
            %mul3A_170 = arith.mulf %add3A_154, %mul3A_169 : vector<16xf32>
            %mul3A_171 = arith.mulf %sub3A, %get3A_102 : vector<16xf32>
            %mul3A_172 = arith.mulf %sub3A_145, %get3A_106 : vector<16xf32>
            %add3A_173 = arith.addf %mul3A_171, %mul3A_172 : vector<16xf32>
            %mul3A_174 = arith.mulf %sub3A_146, %get3A_110 : vector<16xf32>
            %add3A_175 = arith.addf %add3A_173, %mul3A_174 : vector<16xf32>
            %mul3A_176 = arith.mulf %add3A_175, %mul3A_169 : vector<16xf32>
            %add3A_177 = arith.addf %scan3A_134, %mul3A_170 : vector<16xf32>
            %mul3A_178 = arith.mulf %mul3A_176, %mul3A_176 : vector<16xf32>
            %add3A_179 = arith.addf %scan3A_135, %mul3A_178 : vector<16xf32>
            scf.yield %add3A_177, %add3A_179 : vector<16xf32>, vector<16xf32>
          }
          %scan3A_116 = arith.constant 32 : i32
          %mul3A_117 = arith.constant 3.125000e-02 : f32
          %mul3A_118 = vector.broadcast %mul3A_117 : f32 to vector<16xf32>
          %mul3A_119 = arith.mulf %scan3A_115#0, %mul3A_118 : vector<16xf32>
          %swap3A_120 = arith.index_cast %mul3A_90 : i32 to index
          %swap3A_121 = tpu.vector_load %arg24[%swap3A_120] {strides = array<i32>} : memref<320xf32, #tpu.memory_space<vmem>>, vector<16xf32>,
          tpu.vector_store %arg24[%swap3A_120], %mul3A_119 {strides = array<i32>} : memref<320xf32, #tpu.memory_space<vmem>>, vector<16xf32>,
          %get3A_122 = arith.index_cast %mul3A_90 : i32 to index
          %get3A_123 = tpu.vector_load %arg22[%get3A_122] {strides = array<i32>} : memref<320xi32, #tpu.memory_space<vmem>>, vector<16xi32>,
          %mul3A_124 = arith.constant 1024 : i32
          %mul3A_125 = vector.broadcast %mul3A_124 : i32 to vector<16xi32>
          %mul3A_126 = arith.muli %iota3A, %mul3A_125 : vector<16xi32>
          %add3A_127 = arith.addi %mul3A_126, %get3A_123 : vector<16xi32>
          tpu.vector_store_idx %arg25[%add3A_127], %mul3A_119 {add = true} : memref<16384xf32, #tpu.memory_space<vmem>>[vector<16xi32>], vector<16xf32>,
          tpu.vector_store_idx %arg26[%add3A_127], %broadcast_in_dim3A_3 {add = true} : memref<16384xf32, #tpu.memory_space<vmem>>[vector<16xi32>], vector<16xf32>,
          %get3A_128 = arith.constant 0 : index
          %get3A_129 = tpu.vector_load %arg28[%get3A_128] {strides = array<i32>} : memref<16xf32, #tpu.memory_space<vmem>>, vector<16xf32>,
          %add3A_130 = arith.addf %get3A_129, %scan3A_115#1 : vector<16xf32>
          %swap3A_131 = arith.constant 0 : index
          %swap3A_132 = tpu.vector_load %arg28[%swap3A_131] {strides = array<i32>} : memref<16xf32, #tpu.memory_space<vmem>>, vector<16xf32>,
          tpu.vector_store %arg28[%swap3A_131], %add3A_130 {strides = array<i32>} : memref<16xf32, #tpu.memory_space<vmem>>, vector<16xf32>,
        }
        %scan3A_87 = arith.constant 20 : i32
        "tpu.region"() ({
          %run_scoped3A = tpu.sem_alloc : memref<!tpu.dma_semaphore, #tpu.memory_space<semaphore_mem>>
          %dma_start3A_88 = tpu.memref_slice %arg9[%mul3A_57] : memref<200000xf32, #tpu.memory_space<hbm>> -> memref<320xf32, #tpu.memory_space<hbm>>
          %dma_start3A_89 = tpu.memref_slice %arg9[%mul3A_57] : memref<200000xf32, #tpu.memory_space<hbm>> -> memref<320xf32, #tpu.memory_space<hbm>>
          tpu.enqueue_dma source(%arg24 : memref<320xf32, #tpu.memory_space<vmem>>) target(%dma_start3A_89 : memref<320xf32, #tpu.memory_space<hbm>>) target_semaphore(%run_scoped3A : memref<!tpu.dma_semaphore, #tpu.memory_space<semaphore_mem>>)
          %dma_wait3A_90 = tpu.memref_slice %arg9[%mul3A_57] : memref<200000xf32, #tpu.memory_space<hbm>> -> memref<320xf32, #tpu.memory_space<hbm>>
          %dma_wait3A_91 = tpu.memref_slice %arg9[%mul3A_57] : memref<200000xf32, #tpu.memory_space<hbm>> -> memref<320xf32, #tpu.memory_space<hbm>>
          tpu.wait_dma2 semaphore(%run_scoped3A : memref<!tpu.dma_semaphore, #tpu.memory_space<semaphore_mem>>) src(%arg24 : memref<320xf32, #tpu.memory_space<vmem>>) dst(%dma_wait3A_91 : memref<320xf32, #tpu.memory_space<hbm>>)
          tpu.yield
        }) : () -> ()
      } else {
      }
    }
    %scan3A_35 = arith.constant 20 : i32
    %scan3A_36 = arith.constant 0 : i32
    %scan3A_37 = arith.constant 0 : i32
    %scan3A_38 = arith.constant 64 : i32
    %scan3A_39 = arith.addi %scan3A_37, %scan3A_38 : i32
    %scan3A_40 = arith.constant 1 : i32
    scf.for %scan3A_48 = %scan3A_37 to %scan3A_39 step %scan3A_40  : i32 {
      %scan3A_49 = arith.constant 0 : i32
      %scan3A_50 = arith.constant 16 : i32
      %scan3A_51 = arith.addi %scan3A_49, %scan3A_50 : i32
      %scan3A_52 = arith.constant 1 : i32
      %scan3A_53 = scf.for %scan3A_59 = %scan3A_49 to %scan3A_51 step %scan3A_52 iter_args(%scan3A_60 = %broadcast_in_dim3A_1) -> (vector<16xf32>)  : i32 {
        %mul3A_61 = arith.constant 1024 : i32
        %mul3A_62 = arith.muli %scan3A_59, %mul3A_61 : i32
        %mul3A_63 = arith.constant 16 : i32
        %mul3A_64 = arith.muli %scan3A_48, %mul3A_63 : i32
        %add3A_65 = arith.addi %mul3A_62, %mul3A_64 : i32
        %get3A_66 = arith.index_cast %add3A_65 : i32 to index
        %get3A_67 = tpu.vector_load %arg25[%get3A_66] {strides = array<i32>} : memref<16384xf32, #tpu.memory_space<vmem>>, vector<16xf32>,
        %add3A_68 = arith.addf %scan3A_60, %get3A_67 : vector<16xf32>
        scf.yield %add3A_68 : vector<16xf32>
      }
      %scan3A_54 = arith.constant 16 : i32
      %mul3A_55 = arith.constant 16 : i32
      %mul3A_56 = arith.muli %scan3A_48, %mul3A_55 : i32
      %swap3A_57 = arith.index_cast %mul3A_56 : i32 to index
      %swap3A_58 = tpu.vector_load %arg27[%swap3A_57] {strides = array<i32>} : memref<1024xf32, #tpu.memory_space<vmem>>, vector<16xf32>,
      tpu.vector_store %arg27[%swap3A_57], %scan3A_53 {strides = array<i32>} : memref<1024xf32, #tpu.memory_space<vmem>>, vector<16xf32>,
    }
    %scan3A_41 = arith.constant 64 : i32
    "tpu.region"() ({
      %run_scoped3A = tpu.sem_alloc : memref<!tpu.dma_semaphore, #tpu.memory_space<semaphore_mem>>
      %dma_start3A = arith.constant 0 : i32
      %dma_start3A_48 = tpu.memref_slice %arg10[%add3A, %dma_start3A] : memref<32x1024xf32, #tpu.memory_space<hbm>> -> memref<1x1024xf32, #tpu.memory_space<hbm>>
      %dma_start3A_49 = tpu.memref_squeeze %dma_start3A_48 : memref<1x1024xf32, #tpu.memory_space<hbm>> -> memref<1024xf32, #tpu.memory_space<hbm>>
      %dma_start3A_50 = arith.constant 0 : i32
      %dma_start3A_51 = tpu.memref_slice %arg10[%add3A, %dma_start3A_50] : memref<32x1024xf32, #tpu.memory_space<hbm>> -> memref<1x1024xf32, #tpu.memory_space<hbm>>
      %dma_start3A_52 = tpu.memref_squeeze %dma_start3A_51 : memref<1x1024xf32, #tpu.memory_space<hbm>> -> memref<1024xf32, #tpu.memory_space<hbm>>
      tpu.enqueue_dma source(%arg27 : memref<1024xf32, #tpu.memory_space<vmem>>) target(%dma_start3A_52 : memref<1024xf32, #tpu.memory_space<hbm>>) target_semaphore(%run_scoped3A : memref<!tpu.dma_semaphore, #tpu.memory_space<semaphore_mem>>)
      %dma_wait3A = arith.constant 0 : i32
      %dma_wait3A_53 = tpu.memref_slice %arg10[%add3A, %dma_wait3A] : memref<32x1024xf32, #tpu.memory_space<hbm>> -> memref<1x1024xf32, #tpu.memory_space<hbm>>
      %dma_wait3A_54 = tpu.memref_squeeze %dma_wait3A_53 : memref<1x1024xf32, #tpu.memory_space<hbm>> -> memref<1024xf32, #tpu.memory_space<hbm>>
      %dma_wait3A_55 = arith.constant 0 : i32
      %dma_wait3A_56 = tpu.memref_slice %arg10[%add3A, %dma_wait3A_55] : memref<32x1024xf32, #tpu.memory_space<hbm>> -> memref<1x1024xf32, #tpu.memory_space<hbm>>
      %dma_wait3A_57 = tpu.memref_squeeze %dma_wait3A_56 : memref<1x1024xf32, #tpu.memory_space<hbm>> -> memref<1024xf32, #tpu.memory_space<hbm>>
      tpu.wait_dma2 semaphore(%run_scoped3A : memref<!tpu.dma_semaphore, #tpu.memory_space<semaphore_mem>>) src(%arg27 : memref<1024xf32, #tpu.memory_space<vmem>>) dst(%dma_wait3A_57 : memref<1024xf32, #tpu.memory_space<hbm>>)
      tpu.yield
    }) : () -> ()
    %scan3A_42 = arith.constant 0 : i32
    %scan3A_43 = arith.constant 0 : i32
    %scan3A_44 = arith.constant 64 : i32
    %scan3A_45 = arith.addi %scan3A_43, %scan3A_44 : i32
    %scan3A_46 = arith.constant 1 : i32
    scf.for %scan3A_48 = %scan3A_43 to %scan3A_45 step %scan3A_46  : i32 {
      %scan3A_49 = arith.constant 0 : i32
      %scan3A_50 = arith.constant 16 : i32
      %scan3A_51 = arith.addi %scan3A_49, %scan3A_50 : i32
      %scan3A_52 = arith.constant 1 : i32
      %scan3A_53 = scf.for %scan3A_59 = %scan3A_49 to %scan3A_51 step %scan3A_52 iter_args(%scan3A_60 = %broadcast_in_dim3A_1) -> (vector<16xf32>)  : i32 {
        %mul3A_61 = arith.constant 1024 : i32
        %mul3A_62 = arith.muli %scan3A_59, %mul3A_61 : i32
        %mul3A_63 = arith.constant 16 : i32
        %mul3A_64 = arith.muli %scan3A_48, %mul3A_63 : i32
        %add3A_65 = arith.addi %mul3A_62, %mul3A_64 : i32
        %get3A_66 = arith.index_cast %add3A_65 : i32 to index
        %get3A_67 = tpu.vector_load %arg26[%get3A_66] {strides = array<i32>} : memref<16384xf32, #tpu.memory_space<vmem>>, vector<16xf32>,
        %add3A_68 = arith.addf %scan3A_60, %get3A_67 : vector<16xf32>
        scf.yield %add3A_68 : vector<16xf32>
      }
      %scan3A_54 = arith.constant 16 : i32
      %mul3A_55 = arith.constant 16 : i32
      %mul3A_56 = arith.muli %scan3A_48, %mul3A_55 : i32
      %swap3A_57 = arith.index_cast %mul3A_56 : i32 to index
      %swap3A_58 = tpu.vector_load %arg27[%swap3A_57] {strides = array<i32>} : memref<1024xf32, #tpu.memory_space<vmem>>, vector<16xf32>,
      tpu.vector_store %arg27[%swap3A_57], %scan3A_53 {strides = array<i32>} : memref<1024xf32, #tpu.memory_space<vmem>>, vector<16xf32>,
    }
    %scan3A_47 = arith.constant 64 : i32
    "tpu.region"() ({
      %run_scoped3A = tpu.sem_alloc : memref<!tpu.dma_semaphore, #tpu.memory_space<semaphore_mem>>
      %dma_start3A = arith.constant 0 : i32
      %dma_start3A_48 = tpu.memref_slice %arg11[%add3A, %dma_start3A] : memref<32x1024xf32, #tpu.memory_space<hbm>> -> memref<1x1024xf32, #tpu.memory_space<hbm>>
      %dma_start3A_49 = tpu.memref_squeeze %dma_start3A_48 : memref<1x1024xf32, #tpu.memory_space<hbm>> -> memref<1024xf32, #tpu.memory_space<hbm>>
      %dma_start3A_50 = arith.constant 0 : i32
      %dma_start3A_51 = tpu.memref_slice %arg11[%add3A, %dma_start3A_50] : memref<32x1024xf32, #tpu.memory_space<hbm>> -> memref<1x1024xf32, #tpu.memory_space<hbm>>
      %dma_start3A_52 = tpu.memref_squeeze %dma_start3A_51 : memref<1x1024xf32, #tpu.memory_space<hbm>> -> memref<1024xf32, #tpu.memory_space<hbm>>
      tpu.enqueue_dma source(%arg27 : memref<1024xf32, #tpu.memory_space<vmem>>) target(%dma_start3A_52 : memref<1024xf32, #tpu.memory_space<hbm>>) target_semaphore(%run_scoped3A : memref<!tpu.dma_semaphore, #tpu.memory_space<semaphore_mem>>)
      %dma_wait3A = arith.constant 0 : i32
      %dma_wait3A_53 = tpu.memref_slice %arg11[%add3A, %dma_wait3A] : memref<32x1024xf32, #tpu.memory_space<hbm>> -> memref<1x1024xf32, #tpu.memory_space<hbm>>
      %dma_wait3A_54 = tpu.memref_squeeze %dma_wait3A_53 : memref<1x1024xf32, #tpu.memory_space<hbm>> -> memref<1024xf32, #tpu.memory_space<hbm>>
      %dma_wait3A_55 = arith.constant 0 : i32
      %dma_wait3A_56 = tpu.memref_slice %arg11[%add3A, %dma_wait3A_55] : memref<32x1024xf32, #tpu.memory_space<hbm>> -> memref<1x1024xf32, #tpu.memory_space<hbm>>
      %dma_wait3A_57 = tpu.memref_squeeze %dma_wait3A_56 : memref<1x1024xf32, #tpu.memory_space<hbm>> -> memref<1024xf32, #tpu.memory_space<hbm>>
      tpu.wait_dma2 semaphore(%run_scoped3A : memref<!tpu.dma_semaphore, #tpu.memory_space<semaphore_mem>>) src(%arg27 : memref<1024xf32, #tpu.memory_space<vmem>>) dst(%dma_wait3A_57 : memref<1024xf32, #tpu.memory_space<hbm>>)
      tpu.yield
    }) : () -> ()
    "tpu.region"() ({
      %run_scoped3A = tpu.sem_alloc : memref<!tpu.dma_semaphore, #tpu.memory_space<semaphore_mem>>
      %dma_start3A = arith.constant 0 : i32
      %dma_start3A_48 = tpu.memref_slice %arg12[%add3A, %dma_start3A] : memref<32x16xf32, #tpu.memory_space<hbm>> -> memref<1x16xf32, #tpu.memory_space<hbm>>
      %dma_start3A_49 = tpu.memref_squeeze %dma_start3A_48 : memref<1x16xf32, #tpu.memory_space<hbm>> -> memref<16xf32, #tpu.memory_space<hbm>>
      %dma_start3A_50 = arith.constant 0 : i32
      %dma_start3A_51 = tpu.memref_slice %arg12[%add3A, %dma_start3A_50] : memref<32x16xf32, #tpu.memory_space<hbm>> -> memref<1x16xf32, #tpu.memory_space<hbm>>
      %dma_start3A_52 = tpu.memref_squeeze %dma_start3A_51 : memref<1x16xf32, #tpu.memory_space<hbm>> -> memref<16xf32, #tpu.memory_space<hbm>>
      tpu.enqueue_dma source(%arg28 : memref<16xf32, #tpu.memory_space<vmem>>) target(%dma_start3A_52 : memref<16xf32, #tpu.memory_space<hbm>>) target_semaphore(%run_scoped3A : memref<!tpu.dma_semaphore, #tpu.memory_space<semaphore_mem>>)
      %dma_wait3A = arith.constant 0 : i32
      %dma_wait3A_53 = tpu.memref_slice %arg12[%add3A, %dma_wait3A] : memref<32x16xf32, #tpu.memory_space<hbm>> -> memref<1x16xf32, #tpu.memory_space<hbm>>
      %dma_wait3A_54 = tpu.memref_squeeze %dma_wait3A_53 : memref<1x16xf32, #tpu.memory_space<hbm>> -> memref<16xf32, #tpu.memory_space<hbm>>
      %dma_wait3A_55 = arith.constant 0 : i32
      %dma_wait3A_56 = tpu.memref_slice %arg12[%add3A, %dma_wait3A_55] : memref<32x16xf32, #tpu.memory_space<hbm>> -> memref<1x16xf32, #tpu.memory_space<hbm>>
      %dma_wait3A_57 = tpu.memref_squeeze %dma_wait3A_56 : memref<1x16xf32, #tpu.memory_space<hbm>> -> memref<16xf32, #tpu.memory_space<hbm>>
      tpu.wait_dma2 semaphore(%run_scoped3A : memref<!tpu.dma_semaphore, #tpu.memory_space<semaphore_mem>>) src(%arg28 : memref<16xf32, #tpu.memory_space<vmem>>) dst(%dma_wait3A_57 : memref<16xf32, #tpu.memory_space<hbm>>)
      tpu.yield
    }) : () -> ()
    return
  }
}

#map = affine_map<(d0, d1) -> (0)>
#map1 = affine_map<(d0, d1) -> (0, 0)>
module attributes {stable_mosaic.version = 14 : i64} {
  func.func @_loss_body(%arg0: i32, %arg1: i32, %arg2: memref<200000xf32, #tpu.memory_space<hbm>>, %arg3: memref<200000xi32, #tpu.memory_space<hbm>>, %arg4: memref<1024xf32, #tpu.memory_space<hbm>>, %arg5: memref<32x16xf32, #tpu.memory_space<hbm>>, %arg6: memref<1024xf32, #tpu.memory_space<vmem>>, %arg7: memref<2000xf32, #tpu.memory_space<vmem>>, %arg8: memref<2000xi32, #tpu.memory_space<vmem>>, %arg9: memref<16xf32, #tpu.memory_space<vmem>>) attributes {dimension_semantics = [#tpu.dimension_semantics<core_parallel>, #tpu.dimension_semantics<subcore_parallel>], iteration_bounds = array<i64: 2, 16>, scalar_prefetch = 0 : i64, scratch_operands = 4 : i64, tpu.core_type = #tpu.core_type<sc_vector_subcore>, window_params = [{transform_indices = #map}, {transform_indices = #map}, {transform_indices = #map}, {transform_indices = #map1}]} {
    %mul3A = arith.constant 2 : i32
    %mul3A_0 = arith.muli %arg1, %mul3A : i32
    %add3A = arith.addi %mul3A_0, %arg0 : i32
    %broadcast_in_dim3A = arith.constant 0.000000e+00 : f32
    %broadcast_in_dim3A_1 = vector.broadcast %broadcast_in_dim3A : f32 to vector<16xf32>
    "tpu.region"() ({
      %run_scoped3A = tpu.sem_alloc : memref<!tpu.dma_semaphore, #tpu.memory_space<semaphore_mem>>
      tpu.enqueue_dma source(%arg4 : memref<1024xf32, #tpu.memory_space<hbm>>) target(%arg6 : memref<1024xf32, #tpu.memory_space<vmem>>) target_semaphore(%run_scoped3A : memref<!tpu.dma_semaphore, #tpu.memory_space<semaphore_mem>>)
      tpu.wait_dma2 semaphore(%run_scoped3A : memref<!tpu.dma_semaphore, #tpu.memory_space<semaphore_mem>>) src(%arg4 : memref<1024xf32, #tpu.memory_space<hbm>>) dst(%arg6 : memref<1024xf32, #tpu.memory_space<vmem>>)
      tpu.yield
    }) : () -> ()
    %swap3A = arith.constant 0 : index
    %swap3A_2 = tpu.vector_load %arg9[%swap3A] {strides = array<i32>} : memref<16xf32, #tpu.memory_space<vmem>>, vector<16xf32>,
    tpu.vector_store %arg9[%swap3A], %broadcast_in_dim3A_1 {strides = array<i32>} : memref<16xf32, #tpu.memory_space<vmem>>, vector<16xf32>,
    %scan3A = arith.constant 0 : i32
    %scan3A_3 = arith.constant 0 : i32
    %scan3A_4 = arith.constant 4 : i32
    %scan3A_5 = arith.addi %scan3A_3, %scan3A_4 : i32
    %scan3A_6 = arith.constant 1 : i32
    scf.for %scan3A_8 = %scan3A_3 to %scan3A_5 step %scan3A_6  : i32 {
      %mul3A_9 = arith.constant 32 : i32
      %mul3A_10 = arith.muli %scan3A_8, %mul3A_9 : i32
      %add3A_11 = arith.addi %add3A, %mul3A_10 : i32
      %lt3A = arith.constant 100 : i32
      %lt3A_12 = arith.cmpi slt, %add3A_11, %lt3A : i32
      %convert_element_type3A = arith.extui %lt3A_12 : i1 to i32
      %cond3A = arith.constant 0 : i32
      %cond3A_13 = arith.cmpi ne, %convert_element_type3A, %cond3A : i32
      scf.if %cond3A_13 {
        %mul3A_14 = arith.constant 2000 : i32
        %mul3A_15 = arith.muli %add3A_11, %mul3A_14 : i32
        "tpu.region"() ({
          %run_scoped3A = tpu.sem_alloc : memref<!tpu.dma_semaphore, #tpu.memory_space<semaphore_mem>>
          %dma_start3A = tpu.memref_slice %arg2[%mul3A_15] : memref<200000xf32, #tpu.memory_space<hbm>> -> memref<2000xf32, #tpu.memory_space<hbm>>
          %dma_start3A_24 = tpu.memref_slice %arg2[%mul3A_15] : memref<200000xf32, #tpu.memory_space<hbm>> -> memref<2000xf32, #tpu.memory_space<hbm>>
          tpu.enqueue_dma source(%dma_start3A_24 : memref<2000xf32, #tpu.memory_space<hbm>>) target(%arg7 : memref<2000xf32, #tpu.memory_space<vmem>>) target_semaphore(%run_scoped3A : memref<!tpu.dma_semaphore, #tpu.memory_space<semaphore_mem>>)
          %dma_wait3A = tpu.memref_slice %arg2[%mul3A_15] : memref<200000xf32, #tpu.memory_space<hbm>> -> memref<2000xf32, #tpu.memory_space<hbm>>
          %dma_wait3A_25 = tpu.memref_slice %arg2[%mul3A_15] : memref<200000xf32, #tpu.memory_space<hbm>> -> memref<2000xf32, #tpu.memory_space<hbm>>
          tpu.wait_dma2 semaphore(%run_scoped3A : memref<!tpu.dma_semaphore, #tpu.memory_space<semaphore_mem>>) src(%dma_wait3A_25 : memref<2000xf32, #tpu.memory_space<hbm>>) dst(%arg7 : memref<2000xf32, #tpu.memory_space<vmem>>)
          tpu.yield
        }) : () -> ()
        %mul3A_16 = arith.constant 2000 : i32
        %mul3A_17 = arith.muli %add3A_11, %mul3A_16 : i32
        "tpu.region"() ({
          %run_scoped3A = tpu.sem_alloc : memref<!tpu.dma_semaphore, #tpu.memory_space<semaphore_mem>>
          %dma_start3A = tpu.memref_slice %arg3[%mul3A_17] : memref<200000xi32, #tpu.memory_space<hbm>> -> memref<2000xi32, #tpu.memory_space<hbm>>
          %dma_start3A_24 = tpu.memref_slice %arg3[%mul3A_17] : memref<200000xi32, #tpu.memory_space<hbm>> -> memref<2000xi32, #tpu.memory_space<hbm>>
          tpu.enqueue_dma source(%dma_start3A_24 : memref<2000xi32, #tpu.memory_space<hbm>>) target(%arg8 : memref<2000xi32, #tpu.memory_space<vmem>>) target_semaphore(%run_scoped3A : memref<!tpu.dma_semaphore, #tpu.memory_space<semaphore_mem>>)
          %dma_wait3A = tpu.memref_slice %arg3[%mul3A_17] : memref<200000xi32, #tpu.memory_space<hbm>> -> memref<2000xi32, #tpu.memory_space<hbm>>
          %dma_wait3A_25 = tpu.memref_slice %arg3[%mul3A_17] : memref<200000xi32, #tpu.memory_space<hbm>> -> memref<2000xi32, #tpu.memory_space<hbm>>
          tpu.wait_dma2 semaphore(%run_scoped3A : memref<!tpu.dma_semaphore, #tpu.memory_space<semaphore_mem>>) src(%dma_wait3A_25 : memref<2000xi32, #tpu.memory_space<hbm>>) dst(%arg8 : memref<2000xi32, #tpu.memory_space<vmem>>)
          tpu.yield
        }) : () -> ()
        %scan3A_18 = arith.constant 0 : i32
        %scan3A_19 = arith.constant 0 : i32
        %scan3A_20 = arith.constant 125 : i32
        %scan3A_21 = arith.addi %scan3A_19, %scan3A_20 : i32
        %scan3A_22 = arith.constant 1 : i32
        scf.for %scan3A_24 = %scan3A_19 to %scan3A_21 step %scan3A_22  : i32 {
          %mul3A_25 = arith.constant 16 : i32
          %mul3A_26 = arith.muli %scan3A_24, %mul3A_25 : i32
          %get3A = arith.index_cast %mul3A_26 : i32 to index
          %get3A_27 = tpu.vector_load %arg7[%get3A] {strides = array<i32>} : memref<2000xf32, #tpu.memory_space<vmem>>, vector<16xf32>,
          %mul3A_28 = arith.constant 16 : i32
          %mul3A_29 = arith.muli %scan3A_24, %mul3A_28 : i32
          %get3A_30 = arith.index_cast %mul3A_29 : i32 to index
          %get3A_31 = tpu.vector_load %arg8[%get3A_30] {strides = array<i32>} : memref<2000xi32, #tpu.memory_space<vmem>>, vector<16xi32>,
          %gather3A = tpu.vector_load_idx %arg6[%get3A_31] : memref<1024xf32, #tpu.memory_space<vmem>>[vector<16xi32>], vector<16xf32>,
          %get3A_32 = arith.constant 0 : index
          %get3A_33 = tpu.vector_load %arg9[%get3A_32] {strides = array<i32>} : memref<16xf32, #tpu.memory_space<vmem>>, vector<16xf32>,
          %sub3A = arith.subf %get3A_27, %gather3A : vector<16xf32>
          %abs3A = math.absf %sub3A : vector<16xf32>
          %add3A_34 = arith.addf %get3A_33, %abs3A : vector<16xf32>
          %swap3A_35 = arith.constant 0 : index
          %swap3A_36 = tpu.vector_load %arg9[%swap3A_35] {strides = array<i32>} : memref<16xf32, #tpu.memory_space<vmem>>, vector<16xf32>,
          tpu.vector_store %arg9[%swap3A_35], %add3A_34 {strides = array<i32>} : memref<16xf32, #tpu.memory_space<vmem>>, vector<16xf32>,
        }
        %scan3A_23 = arith.constant 125 : i32
      } else {
      }
    }
    %scan3A_7 = arith.constant 4 : i32
    "tpu.region"() ({
      %run_scoped3A = tpu.sem_alloc : memref<!tpu.dma_semaphore, #tpu.memory_space<semaphore_mem>>
      %dma_start3A = arith.constant 0 : i32
      %dma_start3A_8 = tpu.memref_slice %arg5[%add3A, %dma_start3A] : memref<32x16xf32, #tpu.memory_space<hbm>> -> memref<1x16xf32, #tpu.memory_space<hbm>>
      %dma_start3A_9 = tpu.memref_squeeze %dma_start3A_8 : memref<1x16xf32, #tpu.memory_space<hbm>> -> memref<16xf32, #tpu.memory_space<hbm>>
      %dma_start3A_10 = arith.constant 0 : i32
      %dma_start3A_11 = tpu.memref_slice %arg5[%add3A, %dma_start3A_10] : memref<32x16xf32, #tpu.memory_space<hbm>> -> memref<1x16xf32, #tpu.memory_space<hbm>>
      %dma_start3A_12 = tpu.memref_squeeze %dma_start3A_11 : memref<1x16xf32, #tpu.memory_space<hbm>> -> memref<16xf32, #tpu.memory_space<hbm>>
      tpu.enqueue_dma source(%arg9 : memref<16xf32, #tpu.memory_space<vmem>>) target(%dma_start3A_12 : memref<16xf32, #tpu.memory_space<hbm>>) target_semaphore(%run_scoped3A : memref<!tpu.dma_semaphore, #tpu.memory_space<semaphore_mem>>)
      %dma_wait3A = arith.constant 0 : i32
      %dma_wait3A_13 = tpu.memref_slice %arg5[%add3A, %dma_wait3A] : memref<32x16xf32, #tpu.memory_space<hbm>> -> memref<1x16xf32, #tpu.memory_space<hbm>>
      %dma_wait3A_14 = tpu.memref_squeeze %dma_wait3A_13 : memref<1x16xf32, #tpu.memory_space<hbm>> -> memref<16xf32, #tpu.memory_space<hbm>>
      %dma_wait3A_15 = arith.constant 0 : i32
      %dma_wait3A_16 = tpu.memref_slice %arg5[%add3A, %dma_wait3A_15] : memref<32x16xf32, #tpu.memory_space<hbm>> -> memref<1x16xf32, #tpu.memory_space<hbm>>
      %dma_wait3A_17 = tpu.memref_squeeze %dma_wait3A_16 : memref<1x16xf32, #tpu.memory_space<hbm>> -> memref<16xf32, #tpu.memory_space<hbm>>
      tpu.wait_dma2 semaphore(%run_scoped3A : memref<!tpu.dma_semaphore, #tpu.memory_space<semaphore_mem>>) src(%arg9 : memref<16xf32, #tpu.memory_space<vmem>>) dst(%dma_wait3A_17 : memref<16xf32, #tpu.memory_space<hbm>>)
      tpu.yield
    }) : () -> ()
    return
  }
}

</mosaic_0001>

<sc_bundles>
// kernel: kernel.4.cloned.1.call-start
scs
__scs_entry_jumppad:
0x0: {  	(pc) =	sbr.rel $0x88, $3  }
0x1: {  	(tag) =	ssettag $0x0;
	lr =	simm.s32 $0x1  }
0x2: {  	[smem:$0x3F9C] =	sst lr;
	_ =	strace $0xD0000000  }
0x3: {  	_ = 	snop  }
0x4: {  	_ = 	snop  }
0x5: {  	_ = 	snop  }
0x6: {  	_ = 	snop  }
0x7: {  	_ = 	snop  }
__scs_overlays_trampoline_lowered:
0x8: {  	[smem:$0x3FAB] =	sst s0  }
0x9: {  	[smem:$0x3FAC] =	sst s1  }
0xa: {  	[smem:$0x3FAD] =	sst s2  }
0xb: {  	[smem:$0x3FAE] =	sst s3  }
0xc: {  	[smem:$0x3FAF] =	sst s4  }
0xd: {  	[smem:$0x3FB0] =	sst s5  }
0xe: {  	[smem:$0x3FB1] =	sst s6  }
0xf: {  	[smem:$0x3FB2] =	sst s7  }
0x10: {  	[smem:$0x3FB3] =	sst s8  }
0x11: {  	[smem:$0x3FB4] =	sst s9;
	s0 =	simm.s32 @!p0 $0x0  }
0x12: {  	s1 =	sld [smem:$0x3F9A];
	s0 =	simm.s32 @p0 $0x1  }
0x13: {  	[smem:$0x3FB5] =	sst s0;
	s0 =	simm.s32 @!p1 $0x0  }
0x14: {  	s2 =	sld [smem:$0x3F99];
	s0 =	simm.s32 @p1 $0x1  }
0x15: {  	[smem:$0x3FB6] =	sst s0;
	s0 =	simm.s32 @!p2 $0x0  }
0x16: {  	s3 =	sld [smem:$0x3FDB];
	s0 =	simm.s32 @p2 $0x1  }
0x17: {  	s4 =	simm.s32 $0x1BF5;
	[smem:$0x3FB8] =	sst s0  }
0x18: {  	s0 =	sld [smem:$0x3F9B];
	_ =	swait.ge [sflag:s4], $0x0  }
0x19: {  	s7 =	sld [smem:$0x3F9C]  }
0x1a: {  	s8 =	sadd.s32 $0xFFFFE003, lr  }
0x1b: {  	s9 =	sadd.s32 $0xFFFFFEF7, lr;
	s5 =	simm.s32 $0xFFFFFFFF;
	p2 =	slt.u32 s8, $0xFFFFF086  }
0x1c: {  	p1 =	slt.u32 s9, $0xF7A;
	s5 =	simm.s32 @!p2 $0x0  }
0x1d: {  	s5 =	simm.s32 @p1 $0x1;
	p0 =	seq.s32 s7, s2  }
0x1e: {  	s7 =	smul.u32 @!p0 $0xF7A, s2;
	p2 =	seq.s32 @!p0 s5, $0x0  }
0x1f: {  	s9 =	smul.u32 $0xF7A, s1;
	s8 =	simm.s32 @!p0 $0x1BF5;
	p2 =	por !p2, p0  }
0x20: {  	[sflag:s8] =	ssyncset.s32 @!p0 $0xFFFFF086;
	s6 =	sadd.s32 @!p0 s3, s7;
	s7 =	simm.s32 @!p0 $0x108  }
0x21: {  	s3 =	sadd.s32 s3, s9;
	s6 =	sadd.s32 @!p0 $0x88, s6;
	s7 =	simm.s32 @p2 $0x1082  }
0x22: {  	[simem:s7], [sflag:s8] =	dma.local @!p0 [hbm:s6], $0xF7A  }
0x23: {  	s9 =	sor.u32 $0xD0000000, s2;
	s6 =	simm.s32 $0x108;
	_ =	swait.ge @!p0 [sflag:s8], $0x0  }
0x24: {  	s3 =	sadd.s32 $0x88, s3;
	s6 =	simm.s32 @!p1 $0x1082;
	[sflag:s4] =	ssyncset.s32 $0xFFFFF086  }
0x25: {  	[simem:s6], [sflag:s4] =	dma.local [hbm:s3], $0xF7A  }
0x26: {  	[smem:$0x3F9C] =	sst s1;
	(tag) =	ssettag s2;
	_ =	strace s9  }
0x27: {  	s1 =	sld [smem:$0x3FAC]  }
0x28: {  	s2 =	sld [smem:$0x3FAD]  }
0x29: {  	s4 =	sld [smem:$0x3FAF]  }
0x2a: {  	p0 =	seq.s32 s5, $0x0;
	s5 =	sld [smem:$0x3FB0]  }
0x2b: {  	s6 =	sld [smem:$0x3FB1]  }
0x2c: {  	s7 =	sld [smem:$0x3FB2]  }
0x2d: {  	s3 =	simm.s32 $0x108;
	s8 =	sld [smem:$0x3FB3]  }
0x2e: {  	s3 =	simm.s32 @!p0 $0x1082;
	s9 =	sld [smem:$0x3FB4]  }
0x2f: {  	lr =	sadd.s32 s0, s3;
	s0 =	sld [smem:$0x3FAB]  }
0x30: {  	s3 =	sld [smem:$0x3FAE]  }
0x31: {  	[smem:$0x3FB7] =	sst s10  }
0x32: {  	s10 =	sld [smem:$0x3FB5];
	_ =	sdelay $0x3  }
0x33: {  	p0 =	seq.s32 s10, $0x1;
	s10 =	sld [smem:$0x3FB7];
	_ =	sdelay $0x3  }
0x34: {  	[smem:$0x3FB7] =	sst s10  }
0x35: {  	s10 =	sld [smem:$0x3FB6];
	_ =	sdelay $0x3  }
0x36: {  	p1 =	seq.s32 s10, $0x1;
	s10 =	sld [smem:$0x3FB7];
	_ =	sdelay $0x3  }
0x37: {  	[smem:$0x3FB7] =	sst s10  }
0x38: {  	s10 =	sld [smem:$0x3FB8]  }
0x39: {  	_ = 	snop;
	(pc) =	sbr.ind lr, $3  }
0x3a: {  	_ = 	snop  }
0x3b: {  	_ = 	snop  }
0x3c: {  	p2 =	seq.s32 s10, $0x1;
	s10 =	sld [smem:$0x3FB7]  }
0x3d: {  	_ =	shalt  }
0x3e: {  	_ =	shalt  }
0x3f: {  	_ =	shalt  }
0x40: {  	_ =	shalt  }
0x41: {  	_ =	shalt  }
0x42: {  	_ =	shalt  }
0x43: {  	_ =	shalt  }
0x44: {  	_ =	shalt  }
0x45: {  	_ =	shalt  }
0x46: {  	_ =	shalt  }
0x47: {  	_ =	shalt  }
0x48: {  	_ =	shalt  }
0x49: {  	_ =	shalt  }
0x4a: {  	_ =	shalt  }
0x4b: {  	_ =	shalt  }
0x4c: {  	_ =	shalt  }
0x4d: {  	_ =	shalt  }
0x4e: {  	_ =	shalt  }
0x4f: {  	_ =	shalt  }
0x50: {  	_ =	shalt  }
0x51: {  	_ =	shalt  }
0x52: {  	_ =	shalt  }
0x53: {  	_ =	shalt  }
0x54: {  	_ =	shalt  }
0x55: {  	_ =	shalt  }
0x56: {  	_ =	shalt  }
0x57: {  	_ =	shalt  }
0x58: {  	_ =	shalt  }
0x59: {  	_ =	shalt  }
0x5a: {  	_ =	shalt  }
0x5b: {  	_ =	shalt  }
0x5c: {  	_ =	shalt  }
0x5d: {  	_ =	shalt  }
0x5e: {  	_ =	shalt  }
0x5f: {  	_ =	shalt  }
0x60: {  	_ =	shalt  }
0x61: {  	_ =	shalt  }
0x62: {  	_ =	shalt  }
0x63: {  	_ =	shalt  }
0x64: {  	_ =	shalt  }
0x65: {  	_ =	shalt  }
0x66: {  	_ =	shalt  }
0x67: {  	_ =	shalt  }
0x68: {  	_ =	shalt  }
0x69: {  	_ =	shalt  }
0x6a: {  	_ =	shalt  }
0x6b: {  	_ =	shalt  }
0x6c: {  	_ =	shalt  }
0x6d: {  	_ =	shalt  }
0x6e: {  	_ =	shalt  }
0x6f: {  	_ =	shalt  }
0x70: {  	_ =	shalt  }
0x71: {  	_ =	shalt  }
0x72: {  	_ =	shalt  }
0x73: {  	_ =	shalt  }
0x74: {  	_ =	shalt  }
0x75: {  	_ =	shalt  }
0x76: {  	_ =	shalt  }
0x77: {  	_ =	shalt  }
0x78: {  	_ =	shalt  }
0x79: {  	_ =	shalt  }
0x7a: {  	_ =	shalt  }
0x7b: {  	_ =	shalt  }
0x7c: {  	_ =	shalt  }
0x7d: {  	_ =	shalt  }
0x7e: {  	_ =	shalt  }
0x7f: {  	_ =	shalt  }
0x80: {  	_ =	shalt  }
0x81: {  	_ =	shalt  }
0x82: {  	_ =	shalt  }
0x83: {  	_ =	shalt  }
0x84: {  	_ =	shalt  }
0x85: {  	_ =	shalt  }
0x86: {  	_ =	shalt  }
0x87: {  	_ =	shalt  }
.Lfunc_end0:
.L_simem_size_0:
called_computation_lowered:
.L_overlay_start_0:
0x88: {  	s2 =	sld [smem:$0x3FD9]  }
0x89: {  	s3 =	sld [smem:$0x3FFE];
	_ =	sdelay $0x1  }
0x8a: {  	s1 =	srdreg.scid  }
0x8b: {  	s0 =	sand.u32 $0x1, s1  }
0x8c: {  	s14 =	sshll.u32 s0, $0xA;
	s2 =	sadd.s32 s3, s2  }
0x8d: {  	s2 =	sadd.s32 s2, s14  }
0x8e: {  	[smem:$0x3FC3] =	sst s2  }
0x8f: {  	_ = 	snop  }
0x90: {  	s2 =	sld [smem:$0x3FD0];
	_ =	sdelay $0x2  }
0x91: {  	s4 =	simm.s32 $0xA;
	s5 =	simm.s32 $0x10;
	s15 =	sld [smem:$0x3FC8]  }
0x92: {  	[smem:s5], [sflag:s4] =	dma.local [hbm:s2], $0x1  }
0x93: {  	_ =	swait.eq [sflag:s4], $0x1  }
0x94: {  	[sflag:s4] =	ssyncset.done $0x0  }
0x95: {  	[sflag:s4] =	ssyncadd.s32 $0xFFFFFFFF  }
0x96: {  	s16 =	sld [smem:$0x11];
	(tm) =	ssettm $0x1  }
0x97: {  	s17 =	sld [smem:$0x3FFB];
	_ =	sdelay $0x3  }
0x98: {  	_ =	strace s17  }
0x99: {  	s4 =	sld [smem:$0x3FFC];
	_ =	sdelay $0x3  }
0x9a: {  	_ =	strace s4  }
0x9b: {  	s4 =	sld [smem:$0x3FFD];
	_ =	sdelay $0x3  }
0x9c: {  	_ =	strace s4  }
0x9d: {  	_ =	strace $0x8FFFFFFF  }
0x9e: {  	s18 =	sld [smem:$0x3FDB];
	_ =	sdelay $0x1  }
0x9f: {  	s19 =	simm.s32 $_scs_section_size  }
0xa0: {  	s6 =	simm.s32 $_size__tile_overlayer_lowered;
	s7 =	simm.s32 $_tile_overlayer_lowered  }
0xa1: {  	s22 =	simm.s32 $0x1BFF;
	s21 =	sshll.u32 s7, $0x1;
	s4 =	sadd.s32 s19, s18  }
0xa2: {  	s8 =	simm.s32 $0x0;
	s20 =	sshll.u32 s6, $0x1;
	s6 =	sadd.s32 s21, s4  }
0xa3: {  	[timem:s8], [sflag:s22] =	dma.local [hbm:s6], s20  }
0xa4: {  	_ =	swait.ge [sflag:s22], s20  }
0xa5: {  	s5 =	ssub.s32 $0x0, s20;
	[sflag:s22] =	ssyncset.done $0x0  }
0xa6: {  	[sflag:s22] =	ssyncadd.s32 s5;
	_ =	sdelay $0x1  }
0xa7: {  	s23 =	simm.s32 $0x1B8B  }
0xa8: {  	_ =	swait.ge [sflag:s23], $0x1  }
0xa9: {  	[sflag:s23] =	ssyncset.done $0x0  }
0xaa: {  	s25 =	simm.s32 $0x1B8E;
	s24 =	sld [smem:$0x3FFE];
	[sflag:s23] =	ssyncadd.s32 $0xFFFFFFFF  }
0xab: {  	s26 =	simm.s32 $execute0_lowered;
	[smem:$0x3FD2] =	sst s25  }
0xac: {  	s6 =	sshll.u32 s26, $0x1;
	_ =	strace $0x80000046;
	[dreg:$0x1] =	wrdreg $0xFFFFFFFF  }
0xad: {  	s28 =	simm.s32 $_size_execute0_lowered;
	s4 =	sadd.s32 s4, s6;
	[dreg:$0x0] =	wrdreg $0x0  }
0xae: {  	s6 =	sshll.u32 s28, $0x1;
	[dreg:$0x2] =	wrdreg s4  }
0xaf: {  	[dreg:$0x3] =	wrdreg s6  }
0xb0: {  	[dreg:$0x4] =	wrdreg $0xC0  }
0xb1: {  	_ =	task [dreg:s8], $0x5FFFF  }
0xb2: {  	[dreg:$0x1] =	wrdreg $0xFFFFFFFF  }
0xb3: {  	[dreg:$0x0] =	wrdreg $0x60  }
0xb4: {  	[dreg:$0x2] =	wrdreg s24  }
0xb5: {  	[dreg:$0x3] =	wrdreg s15  }
0xb6: {  	[dreg:$0x4] =	wrdreg s16  }
0xb7: {  	[dreg:$0x5] =	wrdreg $0x0  }
0xb8: {  	[dreg:$0x6] =	wrdreg $0x30D80  }
0xb9: {  	[dreg:$0x7] =	wrdreg $0x61B00  }
0xba: {  	[dreg:$0x8] =	wrdreg $0x9  }
0xbb: {  	_ =	task.clear_ibuf [dreg:s8], $0x9FFFF;
	_ =	strace $0x90000046  }
0xbc: {  	s29 =	simm.s32 $0x9;
	_ =	strace $0x80000048  }
0xbd: {  	_ =	swait.ge [sflag:s29], $0x1  }
0xbe: {  	[sflag:s29] =	ssyncadd.s32 $0xFFFFFFFF  }
0xbf: {  	_ =	strace $0x90000048  }
0xc0: {  	_ =	sfence  }
0xc1: {  	s30 =	sld [smem:$0x0];
	_ =	sdelay $0x2  }
0xc2: {  	s31 =	sshll.u32 s1, $0xD;
	s1 =	sshrl.u32 s1, $0x2  }
0xc3: {  	s3 =	sand.u32 $0x4000, s31;
	s1 =	sadd.s32 s1, s30  }
0xc4: {  	s0 =	sor.u32 s3, s0;
	s1 =	sshll.u32 s1, $0x11  }
0xc5: {  	s0 =	sor.u32 s1, s0  }
0xc6: {  	s0 =	sadd.s32 $0x8F2B, s0  }
0xc7: {  	[sflag:s0] =	ssyncadd.remote.s32 $0x1  }
0xc8: {  	_ =	sfence.sel $0xFFFF  }
0xc9: {  	[dreg:$0x0] =	wrdreg $0xFFFFFFFF;
	(pc) =	sbr.abs _section_cstart, $3  }
0xca: {  	[dreg:$0x1] =	wrdreg $0xFFFFFFFF  }
0xcb: {  	_ =	task.clear_ibuf [dreg:s8], $0x2FFFF;
	_ =	strace $0x9FFFFFFF  }
0xcc: {  	(tm) =	ssettm $0x7FFFFFFF  }
0xcd: {  	_ =	shalt  }
tec
execute0_lowered:
.L_overlay_start_1:
0x0: {  	(tag) =	ssettag $0x1  }
0x1: {  	s5 =	rddreg [dreg:$0x0]  }
0x2: {  	s6 =	rddreg [dreg:$0x3]  }
0x3: {  	s8 =	rddreg [dreg:$0x4]  }
0x4: {  	s9 =	rddreg [dreg:$0x5];
	s7 =	simm.s32 $0x0  }
0x5: {  	s0 =	srdreg.scid;
	s1 =	stileid.u32;
	s28 =	simm.s32 $0x80  }
0x6: {  	s29 =	simm.s32 $0x400;
	s30 =	simm.s32 $0x15C88;
	s31 =	simm.s32 $0x16588  }
0x7: {  	s15 =	simm.s32 $0x1AC88;
	s16 =	simm.s32 $0x16B08;
	[smem:$0x7FF] =	sst s7  }
0x8: {  	s0 =	sand.u32 $0x1, s0;
	s2 =	sshll.u32 s1, $0x1;
	s3 =	sadd.s32 $0x6200, s5  }
0x9: {  	s22 =	sadd.s32 $0xC400, s5;
	s11 =	sadd.s32 $0x31FA00, s5;
	s23 =	sshrl.u32 s1, $0x2  }
0xa: {  	s12 =	sadd.s32 $0x12600, s5;
	s14 =	sadd.s32 $0x41000, s5;
	p0 =	sne.s32 s1, $0x0  }
0xb: {  	s1 =	simm.s32 $0x2820;
	_ =	strace $0x80000047;
	[dreg:$0x7] =	wrdreg s3  }
0xc: {  	[dreg:$0x8] =	wrdreg s22;
	s10 =	sor.u32 s0, s2;
	s24 =	sshll.u32 s23, $0xD  }
0xd: {  	s3 =	sshll.u32 s23, $0xA;
	s0 =	ssub.s32 $0x2, s0;
	s23 =	simm.s32 $0x2  }
0xe: {  	s22 =	simm.s32 $0x10B88;
	s2 =	sshll.u32 s10, $0x7;
	s4 =	sshrl.u32 s0, $0x1  }
0xf: {  	s13 =	sand.u32 $0x380, s2;
	s0 =	ssub.s32 s0, s4;
	s4 =	simm.s32 $0x0  }
0x10: {  	s2 =	sor.u32 s24, s13;
	s3 =	sor.u32 s3, s13;
	s0 =	smax.u32 s0, $0x1  }
0x11: {  	s2 =	sshrl.u32 s2, $0x3;
	[dreg:$0xc] =	wrdreg s0;
	s0 =	sshrl.u32 @!p0 s6, $0x3  }
0x12: {  	s2 =	sadd.s32 s2, s5;
	[dreg:$0xd] =	wrdreg s0;
	s0 =	sshrl.u32 @!p0 s8, $0x3  }
0x13: {  	s3 =	sshrl.u32 s3, $0x3;
	s25 =	sadd.s32 $0x3EE00, s2;
	[dreg:$0xe] =	wrdreg s0  }
0x14: {  	s3 =	sadd.s32 s3, s5;
	s2 =	sadd.s32 $0x3FE00, s2;
	[dreg:$0x9] =	wrdreg s25  }
0x15: {  	v5 =	vlaneseq.u32;
	s24 =	simm.s32 $0xBA88;
	s26 =	sadd.s32 $0x40E00, s3;
	[dreg:$0xa] =	wrdreg s2  }
0x16: {  	v0 =	vmul.u32 $0x141, v5;
	s8 =	simm.s32 $0x1;
	s0 =	sshrl.u32 @!p0 s9, $0x3;
	[dreg:$0xb] =	wrdreg s26  }
0x17: {  	v1 =	vimm.f32 $0.0e+00;
	v3 =	vimm.s32 $0x0;
	v6 =	vimm.f32 $1.000000000e+00;
	s3 =	simm.s32 $0xE308;
	s25 =	smov.u32 s9;
	[dreg:$0xf] =	wrdreg s0  }
0x18: {  	v5 =	vmul.u32 $0x400, v5;
	v2 =	vadd.s32 $0x140, v0;
	v4 =	vadd.s32 $0x1550, v0;
	s26 =	simm.s32 $0x3;
	s0 =	simm.s32 $0x13408;
	s9 =	simm.s32 $0x16C88  }
.LBB2_1:
0x19: {  	[dreg:$0x10] =	wrdreg s4  }
0x1a: {  	s4 =	rddreg [dreg:$0x0]  }
0x1b: {  	s2 =	simm.s32 @!p0 $0x1C02;
	s5 =	rddreg [dreg:$0xd]  }
0x1c: {  	[spmem:s5], [sflag:s2] =	dma.local @!p0 [hbm:s4], $0x61B0  }
0x1d: {  	s4 =	simm.s32 @!p0 $0x2  }
0x1e: {  	_ =	swait.ge @!p0 [sflag:s4], $0x61B0  }
0x1f: {  	[sflag:s4] =	ssyncset.done @!p0 $0x0;
	s5 =	rddreg [dreg:$0x7]  }
0x20: {  	s6 =	rddreg [dreg:$0xe];
	[sflag:s4] =	ssyncadd.s32 @!p0 $0xFFFF9E50  }
0x21: {  	[spmem:s6], [sflag:s2] =	dma.local @!p0 [hbm:s5], $0x61B0  }
0x22: {  	_ =	swait.ge @!p0 [sflag:s4], $0x61B0  }
0x23: {  	[sflag:s4] =	ssyncset.done @!p0 $0x0;
	s5 =	rddreg [dreg:$0x8]  }
0x24: {  	s6 =	rddreg [dreg:$0xf];
	[sflag:s4] =	ssyncadd.s32 @!p0 $0xFFFF9E50  }
0x25: {  	[spmem:s6], [sflag:s2] =	dma.local @!p0 [hbm:s5], $0x61B0  }
0x26: {  	_ =	swait.ge @!p0 [sflag:s4], $0x61B0  }
0x27: {  	[sflag:s4] =	ssyncset.done @!p0 $0x0  }
0x28: {  	[sflag:s4] =	ssyncadd.s32 @!p0 $0xFFFF9E50  }
0x29: {  	[bflag:$0x0] =	sbarrier.arrive $0xFFFF  }
0x2a: {  	s21 =	simm.s32 $0x1F108;
	s20 =	rddreg [dreg:$0x2]  }
0x2b: {  	[tilespmem:s21], [sflag:$0x2] =	stream.linear.gather [hbm4b:s20+s7], $0x80, $0x38;
	[tilespmem:$0x1F188] =	vst v63  }
0x2c: {  	_ =	swait.ge [sflag:s23], $0x80  }
0x2d: {  	[sflag:s23] =	ssyncset.done $0x0  }
0x2e: {  	[sflag:s23] =	ssyncadd.s32 $0xFFFFFF80  }
0x2f: {  	[tilespmem:$0x1F088] =	vst v1  }
0x30: {  	[tilespmem:v2+s24+$0x0] =	vst.idx.msk $0xffff, v3  }
0x31: {  	s2 =	simm.s32 $0x40;
	s4 =	simm.s32 $0x0;
	[tilespmem:v4+s24+$0x0] =	vst.idx.msk $0xffff, v3  }
.LBB2_2:
0x32: {  	p1 =	sne.s32 s2, $0xFFC0;
	[tilespmem:s4+$0x16C88] =	vst v1;
	s5 =	smov.u32 s2;
	s2 =	sadd.s32 $0x40, s2  }
.Ltmp0:
0x33: {  	[tilespmem:s4+$0x1AC88] =	vst v1;
	(pc) =	sbr.rel @p1 .LBB2_2-.Ltmp0, $2  }
0x34: {  	_ =	sdelay $0x2  }
0x35: {  	s4 =	sshra.s32 s5, $0x2  }
0x36: {  	[tilespmem:s4+$0x16C88] =	vst v1  }
0x37: {  	[tilespmem:s4+$0x1AC88] =	vst v1  }
0x38: {  	v7 =	vld [tilespmem:$0x1F108]  }
.Ltmp1:
0x39: {  	_ = 	snop;
	(pc) =	sbr.rel .LBB2_4-.Ltmp1, $2  }
0x3a: {  	_ =	sdelay $0x2  }
0x3b: {  	s18 =	simm.s32 $0x0;
	vm0 =	veq.s32 v7, $0x1;
	vm1 =	veq.s32 v7, $0x0  }
.LBB2_14:
0x3c: {  	s18 =	sadd.s32 $0x1, s18  }
0x3d: {  	p1 =	sne.s32 s18, $0x14  }
.Ltmp2:
0x3e: {  	_ = 	snop;
	(pc) =	sbr.rel @!p1 .LBB2_15-.Ltmp2, $1  }
0x3f: {  	_ =	sdelay $0x3  }
.LBB2_4:
0x40: {  	s2 =	sshll.u32 s18, $0x5  }
0x41: {  	s2 =	sor.u32 s10, s2  }
0x42: {  	p1 =	sgt.u32 s2, $0x270  }
.Ltmp3:
0x43: {  	_ = 	snop;
	(pc) =	sbr.rel @p1 .LBB2_14-.Ltmp3, $1  }
0x44: {  	_ =	sdelay $0x3  }
0x45: {  	s4 =	smul.u32 $0x500, s2  }
0x46: {  	s5 =	sshrl.u32 s2, $0x3;
	s6 =	simm.s32 $0x0  }
0x47: {  	s17 =	simm.s32 $0x9288;
	s5 =	smul.u32 $0x4800, s5;
	s4 =	sadd.s32 s11, s4  }
0x48: {  	[tilespmem:s17], [sflag:$0x3] =	stream.linear.gather [hbm4b:s4+s6], $0x2800, $0x38;
	[tilespmem:$0x1F188] =	vst v63  }
0x49: {  	s20 =	sor.u32 s13, s5;
	_ =	swait.ge [sflag:s26], $0x2800  }
0x4a: {  	s4 =	sshrl.u32 s20, $0x3;
	[sflag:s26] =	ssyncset.done $0x0  }
0x4b: {  	s4 =	sadd.s32 s12, s4;
	[sflag:s26] =	ssyncadd.s32 $0xFFFFD800  }
0x4c: {  	[tilespmem:s30], [sflag:$0x3] =	stream.strided.gather [hbm4b:s4+s28], $0x900, s29, s28, $0x38;
	[tilespmem:$0x1F188] =	vst v63  }
0x4d: {  	_ =	swait.ge [sflag:s26], $0x900  }
0x4e: {  	[sflag:s26] =	ssyncset.done $0x0  }
0x4f: {  	s19 =	smul.u32 $0x28, s2;
	[sflag:s26] =	ssyncadd.s32 $0xFFFFF700  }
0x50: {  	s21 =	rddreg [dreg:$0x1]  }
0x51: {  	s2 =	sadd.s32 s21, s19  }
0x52: {  	[tilespmem:s31], [sflag:$0x3] =	stream.linear.gather [hbm4b:s2+s6], $0x140, $0x38;
	[tilespmem:$0x1F188] =	vst v63  }
0x53: {  	_ =	swait.ge [sflag:s26], $0x140  }
0x54: {  	[sflag:s26] =	ssyncset.done $0x0  }
0x55: {  	s2 =	simm.s32 $0x9298;
	[sflag:s26] =	ssyncadd.s32 $0xFFFFFEC0  }
0x56: {  	v8 =	vadd.s32 s6, v0;
	s5 =	simm.s32 $0x1410;
	s4 =	simm.s32 $0x1;
	v7 =	vld [tilespmem:s2+$0xFFFFFFF0]  }
.LBB2_6:
0x57: {  	p1 =	sne.s32 s4, $0x13F;
	v9 =	vld [tilespmem:s2+$0x0];
	v10 =	vadd.s32 s5, v0;
	_ =	sdelay $0x1  }
.Ltmp4:
0x58: {  	(pc) =	sbr.rel @p1 .LBB2_6-.Ltmp4, $4  }
0x59: {  	_ = 	snop  }
0x5a: {  	[tilespmem:v8+s24+$0x0] =	vst.idx.msk $0xffff, v7  }
0x5b: {  	s2 =	sadd.s32 $0x20, s2;
	[tilespmem:v10+s24+$0x0] =	vst.idx.msk $0xffff, v9  }
0x5c: {  	s5 =	sadd.s32 $0x1410, s4;
	v8 =	vadd.s32 s4, v0;
	s4 =	sadd.s32 $0x1, s4;
	v7 =	vld [tilespmem:s2+$0xFFFFFFF0]  }
0x5d: {  	v9 =	vld [tilespmem:s2+$0x0];
	v10 =	vadd.s32 s5, v0;
	_ =	sdelay $0x3  }
0x5e: {  	[tilespmem:v8+s24+$0x0] =	vst.idx.msk $0xffff, v7  }
0x5f: {  	s17 =	rddreg [dreg:$0x3];
	[tilespmem:v10+s24+$0x0] =	vst.idx.msk $0xffff, v9  }
0x60: {  	[tilespmem:s3], [sflag:$0x1] =	stream.indirect.gather [spmem:s17], $0x1, s24, s1, $0xb8;
	[tilespmem:$0x1F188] =	vst v63  }
0x61: {  	s20 =	rddreg [dreg:$0x4];
	s21 =	simm.s32 $0x0  }
0x62: {  	[tilespmem:s22], [sflag:$0x1] =	stream.indirect.gather [spmem:s20], $0x1, s24, s1, $0xb8;
	[tilespmem:$0x1F188] =	vst v63  }
0x63: {  	s2 =	sand.u32 $0x1F0, s21  }
0x64: {  	[tilespmem:s0], [sflag:$0x1] =	stream.indirect.gather [spmem:s25], $0x1, s24, s1, $0xb8;
	[tilespmem:$0x1F188] =	vst v63  }
0x65: {  	s4 =	simm.s32 $0x162C8;
	v7 =	vld [tilespmem:s2+$0x16188]  }
0x66: {  	v8 =	vld [tilespmem:s4+$0xFFFFFD80];
	_ =	sdelay $0x1  }
0x67: {  	v9 =	vld [tilespmem:s4+$0x0];
	_ =	sdelay $0x1  }
0x68: {  	v11 =	vld [tilespmem:s2+$0x16408]  }
0x69: {  	v10 =	vmul.f32 v8, v8;
	v12 =	vmul.f32 v7, v7;
	_ =	sdelay $0x1  }
0x6a: {  	v10 =	vadd.f32 v12, v10;
	v12 =	vmul.f32 v9, v9;
	_ =	sdelay $0x1  }
0x6b: {  	v10 =	vadd.f32 v12, v10;
	v12 =	vmul.f32 v11, v11;
	_ =	sdelay $0x1  }
0x6c: {  	v10 =	vadd.f32 v12, v10;
	_ =	sdelay $0x1  }
0x6d: {  	v10 =	vadd.f32 $9.999999930e-09, v10;
	_ =	sdelay $0x1  }
0x6e: {  	v12 =	vshra.s32 v10, $0x1;
	v13 =	vmul.f32 $5.000000000e-01, v10  }
0x6f: {  	v12 =	vsub.s32 $0x5F3759DF, v12  }
0x70: {  	v14 =	vmul.f32 v12, v13;
	_ =	sdelay $0x1  }
0x71: {  	v14 =	vmul.f32 v12, v14;
	_ =	sdelay $0x1  }
0x72: {  	v14 =	vsub.f32 $1.500000000e+00, v14;
	_ =	sdelay $0x1  }
0x73: {  	v12 =	vmul.f32 v12, v14;
	_ =	sdelay $0x1  }
0x74: {  	v13 =	vmul.f32 v12, v13;
	_ =	sdelay $0x1  }
0x75: {  	v13 =	vmul.f32 v13, v12;
	_ =	sdelay $0x1  }
0x76: {  	v13 =	vsub.f32 $1.500000000e+00, v13;
	_ =	sdelay $0x1  }
0x77: {  	v12 =	vmul.f32 v13, v12;
	_ =	sdelay $0x1  }
0x78: {  	v10 =	vmul.f32 v12, v10;
	_ =	sdelay $0x1  }
0x79: {  	v10 =	vadd.f32 $9.999999930e-09, v10;
	_ =	sdelay $0x1  }
0x7a: {  	(erf) = vrcp.f32 v10;
	_ =	sdelay $0x8  }
0x7b: {  	v13 =	vpop (erf)  }
0x7c: {  	v10 =	vmul.f32 v13, v7;
	v11 =	vmul.f32 v13, v11  }
0x7d: {  	v12 =	vmul.f32 v13, v8;
	v15 =	vmul.f32 v13, v9  }
0x7e: {  	v8 =	vmul.f32 v10, v10;
	v17 =	vmul.f32 v11, v11  }
0x7f: {  	v7 =	vmul.f32 v10, v12;
	v18 =	vmul.f32 v15, v15  }
0x80: {  	v14 =	vmul.f32 v11, v12;
	v9 =	vmul.f32 v11, v15;
	v13 =	vadd.f32 v17, v8  }
0x81: {  	s21 =	simm.s32 $0x10;
	s17 =	simm.s32 $0x16848;
	s20 =	simm.s32 $0x16848;
	v16 =	vmul.f32 v15, v10;
	v17 =	vadd.f32 v17, v18;
	v8 =	vadd.f32 v18, v8  }
.LBB2_8:
0x82: {  	p1 =	sne.s32 s21, $0x130;
	v10 =	vmul.f32 v11, v10;
	v11 =	vmul.f32 v15, v12;
	v12 =	vsub.f32 v9, v7;
	s20 =	sadd.s32 $0x10, s20;
	s4 =	sadd.s32 $0x10, s4  }
0x83: {  	s5 =	smov.u32 s21;
	s21 =	sadd.s32 $0x10, s21;
	v15 =	vadd.f32 v17, v17;
	v17 =	vadd.f32 v14, v16  }
0x84: {  	v14 =	vsub.f32 v16, v14;
	v16 =	vadd.f32 v11, v10  }
0x85: {  	v13 =	vadd.f32 v13, v13;
	v7 =	vadd.f32 v7, v9  }
0x86: {  	v10 =	vsub.f32 v10, v11;
	v9 =	vsub.f32 $1.000000000e+00, v15;
	v14 =	vsel vm0, v14, v16  }
0x87: {  	s5 =	sand.u32 $0x1F0, s5;
	v11 =	vsub.f32 $1.000000000e+00, v13;
	v7 =	vadd.f32 v7, v7  }
0x88: {  	v8 =	vadd.f32 v8, v8;
	v13 =	vadd.f32 v17, v17  }
0x89: {  	v12 =	vadd.f32 v12, v12;
	v14 =	vadd.f32 v14, v14  }
0x8a: {  	v8 =	vsub.f32 $1.000000000e+00, v8;
	v10 =	vadd.f32 v10, v10  }
0x8b: {  	v11 =	vsel vm0, v11, v12;
	v9 =	vsel vm1, v9, v14  }
0x8c: {  	v11 =	vsel vm1, v13, v11;
	v7 =	vsel vm0, v7, v8;
	[tilespmem:s17+$0xFFFFFEC0] =	vst v9  }
0x8d: {  	v7 =	vsel vm1, v10, v7;
	[tilespmem:s17+$0x0] =	vst v11;
	s17 =	smov.u32 s20  }
0x8e: {  	v8 =	vld [tilespmem:s5+$0x16188];
	[tilespmem:s2+$0x16988] =	vst v7;
	s2 =	smov.u32 s5  }
0x8f: {  	v7 =	vld [tilespmem:s4+$0xFFFFFD80];
	_ =	sdelay $0x1  }
0x90: {  	v9 =	vld [tilespmem:s4+$0x0];
	_ =	sdelay $0x1  }
0x91: {  	v11 =	vld [tilespmem:s2+$0x16408]  }
0x92: {  	v12 =	vmul.f32 v8, v8;
	v10 =	vmul.f32 v7, v7;
	_ =	sdelay $0x1  }
0x93: {  	v10 =	vadd.f32 v12, v10;
	v12 =	vmul.f32 v9, v9;
	_ =	sdelay $0x1  }
0x94: {  	v10 =	vadd.f32 v12, v10;
	v12 =	vmul.f32 v11, v11;
	_ =	sdelay $0x1  }
0x95: {  	v10 =	vadd.f32 v12, v10;
	_ =	sdelay $0x1  }
0x96: {  	v10 =	vadd.f32 $9.999999930e-09, v10;
	_ =	sdelay $0x1  }
0x97: {  	v12 =	vshra.s32 v10, $0x1;
	v13 =	vmul.f32 $5.000000000e-01, v10  }
0x98: {  	v12 =	vsub.s32 $0x5F3759DF, v12  }
0x99: {  	v14 =	vmul.f32 v12, v13;
	_ =	sdelay $0x1  }
0x9a: {  	v14 =	vmul.f32 v12, v14;
	_ =	sdelay $0x1  }
0x9b: {  	v14 =	vsub.f32 $1.500000000e+00, v14;
	_ =	sdelay $0x1  }
0x9c: {  	v12 =	vmul.f32 v12, v14;
	_ =	sdelay $0x1  }
0x9d: {  	v13 =	vmul.f32 v12, v13;
	_ =	sdelay $0x1  }
0x9e: {  	v13 =	vmul.f32 v13, v12;
	_ =	sdelay $0x1  }
0x9f: {  	v13 =	vsub.f32 $1.500000000e+00, v13;
	_ =	sdelay $0x1  }
0xa0: {  	v12 =	vmul.f32 v13, v12;
	_ =	sdelay $0x1  }
0xa1: {  	v10 =	vmul.f32 v12, v10;
	_ =	sdelay $0x1  }
0xa2: {  	v10 =	vadd.f32 $9.999999930e-09, v10;
	_ =	sdelay $0x1  }
0xa3: {  	(erf) = vrcp.f32 v10;
	_ =	sdelay $0x8  }
0xa4: {  	v13 =	vpop (erf)  }
0xa5: {  	v10 =	vmul.f32 v13, v8;
	v11 =	vmul.f32 v13, v11  }
.Ltmp5:
0xa6: {  	v12 =	vmul.f32 v13, v7;
	v15 =	vmul.f32 v13, v9;
	(pc) =	sbr.rel @p1 .LBB2_8-.Ltmp5, $4  }
0xa7: {  	v8 =	vmul.f32 v10, v10;
	v17 =	vmul.f32 v11, v11  }
0xa8: {  	v7 =	vmul.f32 v10, v12;
	v18 =	vmul.f32 v15, v15  }
0xa9: {  	v14 =	vmul.f32 v11, v12;
	v9 =	vmul.f32 v11, v15;
	v13 =	vadd.f32 v17, v8  }
0xaa: {  	v16 =	vmul.f32 v15, v10;
	v17 =	vadd.f32 v17, v18;
	v8 =	vadd.f32 v18, v8  }
0xab: {  	v10 =	vmul.f32 v11, v10;
	v55 =	vsub.f32 v9, v7;
	v13 =	vadd.f32 v13, v13  }
0xac: {  	v54 =	vmul.f32 v15, v12;
	v7 =	vadd.f32 v7, v9;
	v56 =	vadd.f32 v17, v17  }
0xad: {  	v57 =	vadd.f32 v14, v16;
	v58 =	vsub.f32 v16, v14  }
0xae: {  	v8 =	vadd.f32 v8, v8;
	v59 =	vadd.f32 v54, v10  }
0xaf: {  	v10 =	vsub.f32 v10, v54;
	v61 =	vsub.f32 $1.000000000e+00, v13  }
0xb0: {  	v7 =	vadd.f32 v7, v7;
	v12 =	vadd.f32 v55, v55  }
0xb1: {  	v60 =	vsub.f32 $1.000000000e+00, v56;
	v63 =	vadd.f32 v57, v57;
	v62 =	vsel vm0, v58, v59  }
0xb2: {  	v8 =	vsub.f32 $1.000000000e+00, v8;
	v11 =	vsel vm0, v61, v12;
	v13 =	vadd.f32 v62, v62  }
0xb3: {  	v10 =	vadd.f32 v10, v10;
	v11 =	vsel vm1, v63, v11  }
0xb4: {  	v7 =	vsel vm0, v7, v8;
	[tilespmem:s17+$0x0] =	vst v11;
	v9 =	vsel vm1, v60, v13  }
0xb5: {  	v7 =	vsel vm1, v10, v7;
	[tilespmem:s17+$0xFFFFFEC0] =	vst v9  }
0xb6: {  	[tilespmem:s2+$0x16988] =	vst v7  }
0xb7: {  	_ =	swait.ge [sflag:s8], $0x2820  }
0xb8: {  	[sflag:s8] =	ssyncset.done $0x0  }
0xb9: {  	[sflag:s8] =	ssyncadd.s32 $0xFFFFD7E0  }
0xba: {  	_ =	swait.ge [sflag:s8], $0x2820  }
0xbb: {  	[sflag:s8] =	ssyncset.done $0x0  }
0xbc: {  	[sflag:s8] =	ssyncadd.s32 $0xFFFFD7E0  }
0xbd: {  	_ =	swait.ge [sflag:s8], $0x2820  }
0xbe: {  	s20 =	simm.s32 $0x0;
	s21 =	simm.s32 $0xE308;
	[sflag:s8] =	ssyncset.done $0x0  }
0xbf: {  	s17 =	simm.s32 $0x10B88;
	s2 =	simm.s32 $0x13408;
	[sflag:s8] =	ssyncadd.s32 $0xFFFFD7E0  }
.LBB2_10:
0xc0: {  	v11 =	vmov s21  }
0xc1: {  	v10 =	vmov s17  }
0xc2: {  	s4 =	sshll.u32 s20, $0x4  }
0xc3: {  	v15 =	vmov s2;
	v12 =	vld [tilespmem:s4+$0x15C88]  }
0xc4: {  	s5 =	simm.s32 $0x0;
	v13 =	vld [tilespmem:s4+$0x15DC8]  }
0xc5: {  	v7 =	vld.idx.msk [tilespmem:v11+s5+$0x0 ss:$0x1], $0xffff  }
0xc6: {  	s6 =	sand.u32 $0x1F0, s4;
	v8 =	vld.idx.msk [tilespmem:v10+s5+$0x0 ss:$0x1], $0xffff  }
0xc7: {  	v14 =	vld [tilespmem:s6+$0x15F08]  }
0xc8: {  	v9 =	vld.idx.msk [tilespmem:v15+s5+$0x0 ss:$0x1], $0xffff;
	_ =	sdelay $0x2  }
0xc9: {  	v16 =	vsub.f32 v7, v12;
	v17 =	vsub.f32 v8, v13;
	_ =	sdelay $0x1  }
0xca: {  	s5 =	simm.s32 $0x141;
	v18 =	vsub.f32 v9, v14;
	v7 =	vmul.f32 v16, v16;
	v8 =	vmul.f32 v17, v17  }
0xcb: {  	v19 =	vld.idx.msk [tilespmem:v10+s5+$0x0 ss:$0x1], $0xffff  }
0xcc: {  	v9 =	vld.idx.msk [tilespmem:v11+s5+$0x0 ss:$0x1], $0xffff;
	v7 =	vadd.f32 v8, v7;
	v8 =	vmul.f32 v18, v18  }
0xcd: {  	v20 =	vld.idx.msk [tilespmem:v15+s5+$0x0 ss:$0x1], $0xffff  }
0xce: {  	v8 =	vadd.f32 v8, v7;
	_ =	sdelay $0x1  }
0xcf: {  	v7 =	vld [tilespmem:s4+$0x16708];
	v23 =	vadd.f32 $9.999999930e-09, v8  }
0xd0: {  	s5 =	simm.s32 $0x282;
	v25 =	vsub.f32 v19, v13;
	v24 =	vsub.f32 v9, v12;
	v8 =	vld [tilespmem:s4+$0x16848]  }
0xd1: {  	v26 =	vsub.f32 v20, v14;
	v19 =	vld.idx.msk [tilespmem:v15+s5+$0x0 ss:$0x1], $0xffff;
	v20 =	vshra.s32 v23, $0x1;
	v21 =	vmul.f32 $-5.000000000e-01, v23  }
0xd2: {  	v27 =	vmul.f32 v25, v25;
	v9 =	vld [tilespmem:s6+$0x16988];
	v22 =	vmul.f32 v24, v24;
	v28 =	vsub.s32 $0x5F375A86, v20  }
0xd3: {  	v20 =	vld.idx.msk [tilespmem:v11+s5+$0x0 ss:$0x1], $0xffff;
	v21 =	vmul.f32 v28, v21  }
0xd4: {  	v29 =	vld.idx.msk [tilespmem:v10+s5+$0x0 ss:$0x1], $0xffff;
	v22 =	vadd.f32 v27, v22;
	v27 =	vmul.f32 v26, v26;
	v30 =	vmul.f32 v16, v7  }
0xd5: {  	v17 =	vmul.f32 v17, v8;
	v21 =	vmul.f32 v28, v21  }
0xd6: {  	v16 =	vsub.f32 v19, v14;
	v19 =	vadd.f32 v27, v22  }
0xd7: {  	v18 =	vmul.f32 v18, v9;
	v17 =	vadd.f32 v17, v30;
	v22 =	vadd.f32 $1.500878930e+00, v21  }
0xd8: {  	s6 =	simm.s32 $0x3C3;
	v20 =	vsub.f32 v20, v12;
	v21 =	vadd.f32 $9.999999930e-09, v19  }
0xd9: {  	v63 =	vmul.f32 v26, v9;
	v27 =	vld.idx.msk [tilespmem:v15+s6+$0x0 ss:$0x1], $0xffff;
	v19 =	vsub.f32 v29, v13;
	v17 =	vadd.f32 v18, v17  }
0xda: {  	v32 =	vld.idx.msk [tilespmem:v11+s6+$0x0 ss:$0x1], $0xffff;
	v28 =	vmul.f32 v28, v22;
	v22 =	vshra.s32 v21, $0x1;
	v29 =	vmul.f32 $-5.000000000e-01, v21  }
0xdb: {  	v18 =	vmul.f32 v20, v20;
	v30 =	vmul.f32 v19, v19;
	v31 =	vsub.s32 $0x5F375A86, v22  }
0xdc: {  	v33 =	vld.idx.msk [tilespmem:v10+s6+$0x0 ss:$0x1], $0xffff;
	v24 =	vmul.f32 v24, v7;
	v29 =	vmul.f32 v31, v29  }
0xdd: {  	v34 =	vmul.f32 v16, v16;
	v25 =	vmul.f32 v25, v8;
	v30 =	vadd.f32 v30, v18  }
0xde: {  	v17 =	vmul.f32 v28, v17;
	v18 =	vsub.f32 v27, v14;
	v27 =	vmul.f32 v31, v29  }
0xdf: {  	v26 =	vmul.f32 v28, v23;
	v23 =	vsub.f32 v32, v12;
	v29 =	vadd.f32 v34, v30  }
0xe0: {  	v22 =	vimm.f32 $0.0e+00;
	v30 =	vadd.f32 v25, v24;
	v27 =	vadd.f32 $1.500878930e+00, v27  }
0xe1: {  	s6 =	simm.s32 $0x504;
	v17 =	vmul.f32 v17, v17;
	v24 =	vsub.f32 v33, v13;
	v25 =	vadd.f32 $9.999999930e-09, v29  }
0xe2: {  	v34 =	vmul.f32 v23, v23;
	v29 =	vadd.f32 v63, v30;
	v27 =	vmul.f32 v31, v27;
	v31 =	vld.idx.msk [tilespmem:v15+s6+$0x0 ss:$0x1], $0xffff  }
0xe3: {  	v17 =	vadd.f32 v17, v22;
	v28 =	vshra.s32 v25, $0x1;
	v33 =	vmul.f32 $-5.000000000e-01, v25  }
0xe4: {  	s5 =	simm.s32 $0x1914;
	v32 =	vld.idx.msk [tilespmem:v11+s6+$0x0 ss:$0x1], $0xffff;
	v35 =	vmul.f32 v24, v24;
	v30 =	vmovc v18;
	v28 =	vsub.s32 $0x5F375A86, v28;
	v29 =	vmul.f32 v27, v29  }
.LBB2_11:
0xe5: {  	p1 =	sne.s32 s5, $0x9B7C;
	v36 =	vld.idx.msk [tilespmem:v10+s6+$0x0 ss:$0x1], $0xffff;
	v33 =	vmul.f32 v28, v33;
	v37 =	vmul.f32 v20, v7;
	v22 =	vadd.f32 v26, v22  }
0xe6: {  	v20 =	vmovc v23;
	v26 =	vadd.f32 v35, v34;
	v34 =	vmul.f32 v30, v18;
	v29 =	vmul.f32 v29, v29  }
0xe7: {  	v30 =	vsub.f32 v31, v14;
	v31 =	vmul.f32 v19, v8;
	v19 =	vmovc v24;
	v23 =	vmul.f32 v28, v33  }
0xe8: {  	v24 =	vadd.f32 v34, v26;
	v26 =	vmul.f32 v27, v21;
	v17 =	vadd.f32 v29, v17;
	v21 =	vmovc v25  }
.Ltmp6:
0xe9: {  	s6 =	sshra.s32 s5, $0x2;
	v33 =	vmul.f32 v16, v9;
	v16 =	vmovc v18;
	v29 =	vadd.f32 v31, v37;
	v18 =	vmovc v30;
	v27 =	vadd.f32 $1.500878930e+00, v23;
	(pc) =	sbr.rel @p1 .LBB2_11-.Ltmp6, $4  }
0xea: {  	v23 =	vsub.f32 v32, v12;
	v31 =	vld.idx.msk [tilespmem:v15+s6+$0x0 ss:$0x1], $0xffff;
	v25 =	vadd.f32 $9.999999930e-09, v24  }
0xeb: {  	v24 =	vsub.f32 v36, v13;
	v29 =	vadd.f32 v33, v29;
	v27 =	vmul.f32 v28, v27  }
0xec: {  	v34 =	vmul.f32 v23, v23;
	v28 =	vshra.s32 v25, $0x1;
	v33 =	vmul.f32 $-5.000000000e-01, v25  }
0xed: {  	s5 =	sadd.s32 $0x504, s5;
	v35 =	vmul.f32 v24, v24;
	v32 =	vld.idx.msk [tilespmem:v11+s6+$0x0 ss:$0x1], $0xffff;
	v28 =	vsub.s32 $0x5F375A86, v28;
	v29 =	vmul.f32 v27, v29  }
0xee: {  	_ =	sdelay $0x3  }
0xef: {  	v10 =	vld.idx.msk [tilespmem:v10+s6+$0x0 ss:$0x1], $0xffff;
	_ =	sdelay $0x4  }
0xf0: {  	v11 =	vsub.f32 v32, v12;
	v10 =	vsub.f32 v10, v13  }
0xf1: {  	v34 =	vadd.f32 v35, v34;
	v35 =	vmul.f32 v30, v18  }
0xf2: {  	v14 =	vsub.f32 v31, v14;
	v15 =	vmul.f32 v11, v11;
	v36 =	vmul.f32 v10, v10;
	_ =	sdelay $0x1  }
0xf3: {  	v38 =	vmul.f32 v14, v14;
	v12 =	vadd.f32 v35, v34;
	v37 =	vadd.f32 v36, v15;
	_ =	sdelay $0x1  }
0xf4: {  	v12 =	vadd.f32 $9.999999930e-09, v12;
	v13 =	vadd.f32 v38, v37  }
0xf5: {  	v39 =	vmul.f32 v28, v33  }
0xf6: {  	v40 =	vshra.s32 v12, $0x1;
	v41 =	vmul.f32 $-5.000000000e-01, v12;
	v13 =	vadd.f32 $9.999999930e-09, v13  }
0xf7: {  	v15 =	vmul.f32 v28, v39;
	v30 =	vsub.s32 $0x5F375A86, v40  }
0xf8: {  	v31 =	vmul.f32 v30, v41;
	v42 =	vshra.s32 v13, $0x1;
	v43 =	vmul.f32 $-5.000000000e-01, v13  }
0xf9: {  	v32 =	vsub.s32 $0x5F375A86, v42  }
0xfa: {  	v15 =	vadd.f32 $1.500878930e+00, v15;
	v31 =	vmul.f32 v30, v31;
	v33 =	vmul.f32 v32, v43  }
0xfb: {  	v22 =	vadd.f32 v26, v22;
	v21 =	vmul.f32 v27, v21  }
0xfc: {  	v15 =	vmul.f32 v28, v15;
	v44 =	vadd.f32 $1.500878930e+00, v31;
	v45 =	vmul.f32 v32, v33  }
0xfd: {  	v20 =	vmul.f32 v20, v7;
	v21 =	vadd.f32 v21, v22  }
0xfe: {  	v49 =	vld [tilespmem:s4+$0x16588];
	v46 =	vmul.f32 v15, v25;
	v47 =	vmul.f32 v30, v44;
	v48 =	vadd.f32 $1.500878930e+00, v45  }
0xff: {  	v19 =	vmul.f32 v19, v8;
	v16 =	vmul.f32 v16, v9  }
0x100: {  	v21 =	vadd.f32 v46, v21;
	v12 =	vmul.f32 v47, v12;
	v50 =	vmul.f32 v32, v48  }
0x101: {  	v23 =	vmul.f32 v23, v7;
	v24 =	vmul.f32 v24, v8;
	v19 =	vadd.f32 v19, v20  }
0x102: {  	v52 =	vmul.f32 v18, v9;
	v12 =	vadd.f32 v12, v21;
	v13 =	vmul.f32 v50, v13  }
0x103: {  	v51 =	vadd.f32 v24, v23;
	v16 =	vadd.f32 v16, v19;
	v54 =	vadd.s32 v5, v49  }
0x104: {  	v7 =	vmul.f32 v11, v7;
	v8 =	vmul.f32 v10, v8;
	v53 =	vadd.f32 v13, v12  }
0x105: {  	v55 =	vmul.f32 v29, v29;
	v57 =	vadd.f32 v52, v51;
	v56 =	vmul.f32 v15, v16  }
0x106: {  	v7 =	vadd.f32 v8, v7;
	v8 =	vmul.f32 v14, v9;
	v58 =	vmul.f32 $3.125000000e-02, v53  }
0x107: {  	v59 =	vadd.f32 v55, v17;
	v60 =	vmul.f32 v56, v56  }
0x108: {  	v7 =	vadd.f32 v8, v7;
	v61 =	vmul.f32 v47, v57;
	[tilespmem:s4+$0x16B08] =	vst v58  }
0x109: {  	v8 =	vadd.f32 v60, v59;
	[tilespmem:v54+s9+$0x0] =	vst.idx.add.f32.msk $0xffff, v58  }
0x10a: {  	v62 =	vmul.f32 v61, v61;
	v7 =	vmul.f32 v50, v7;
	[tilespmem:v54+s15+$0x0] =	vst.idx.add.f32.msk $0xffff, v6  }
0x10b: {  	v63 =	vld [tilespmem:$0x1F088]  }
0x10c: {  	s20 =	sadd.s32 $0x1, s20;
	v8 =	vadd.f32 v62, v8;
	v7 =	vmul.f32 v7, v7  }
0x10d: {  	p1 =	sne.s32 s20, $0x14  }
.Ltmp7:
0x10e: {  	v7 =	vadd.f32 v7, v8;
	(pc) =	sbr.rel @p1 .LBB2_10-.Ltmp7, $3  }
0x10f: {  	_ = 	snop  }
0x110: {  	v7 =	vadd.f32 v63, v7;
	_ =	sdelay $0x1  }
0x111: {  	s21 =	sadd.s32 $0x10, s21;
	s17 =	sadd.s32 $0x10, s17;
	s2 =	sadd.s32 $0x10, s2;
	[tilespmem:$0x1F088] =	vst v7  }
.Ltmp8:
0x112: {  	s2 =	sadd.s32 s14, s19;
	(pc) =	sbr.rel .LBB2_14-.Ltmp8, $4  }
0x113: {  	[hbm4b:s2+s7] =	stream.linear.scatter [tilespmem:s16], [sflag:$0x2], $0x140, $0x38;
	[tilespmem:$0x1F188] =	vst v63  }
0x114: {  	_ =	swait.ge [sflag:s23], $0x140  }
0x115: {  	[sflag:s23] =	ssyncset.done $0x0  }
0x116: {  	[sflag:s23] =	ssyncadd.s32 $0xFFFFFEC0  }
.LBB2_15:
0x117: {  	s2 =	simm.s32 $0x0  }
0x118: {  	s2 =	sand.u32 $0x3F0, s2  }
0x119: {  	v7 =	vld [tilespmem:s2+$0x16C88]  }
0x11a: {  	s2 =	sadd.s32 $0x16C88, s2  }
0x11b: {  	v8 =	vld [tilespmem:s2+$0x400];
	_ =	sdelay $0x1  }
0x11c: {  	v9 =	vld [tilespmem:s2+$0x800]  }
0x11d: {  	v7 =	vadd.f32 $0.0e+00, v7  }
0x11e: {  	v10 =	vld [tilespmem:s2+$0xC00]  }
0x11f: {  	v7 =	vadd.f32 v8, v7  }
0x120: {  	v8 =	vld [tilespmem:s2+$0x1000]  }
0x121: {  	v7 =	vadd.f32 v9, v7  }
0x122: {  	v56 =	vld [tilespmem:s2+$0x1400]  }
0x123: {  	v7 =	vadd.f32 v10, v7  }
0x124: {  	v57 =	vld [tilespmem:s2+$0x1800]  }
0x125: {  	v7 =	vadd.f32 v8, v7  }
0x126: {  	v8 =	vld [tilespmem:s2+$0x1C00]  }
0x127: {  	v7 =	vadd.f32 v56, v7  }
0x128: {  	v58 =	vld [tilespmem:s2+$0x2000]  }
0x129: {  	v7 =	vadd.f32 v57, v7  }
0x12a: {  	v59 =	vld [tilespmem:s2+$0x2400]  }
0x12b: {  	v7 =	vadd.f32 v8, v7  }
0x12c: {  	v8 =	vld [tilespmem:s2+$0x2800]  }
0x12d: {  	v7 =	vadd.f32 v58, v7  }
0x12e: {  	v60 =	vld [tilespmem:s2+$0x2C00]  }
0x12f: {  	v7 =	vadd.f32 v59, v7  }
0x130: {  	v61 =	vld [tilespmem:s2+$0x3000]  }
0x131: {  	v7 =	vadd.f32 v8, v7  }
0x132: {  	v8 =	vld [tilespmem:s2+$0x3400]  }
0x133: {  	v7 =	vadd.f32 v60, v7  }
0x134: {  	v62 =	vld [tilespmem:s2+$0x3800]  }
0x135: {  	v7 =	vadd.f32 v61, v7  }
0x136: {  	v63 =	vld [tilespmem:s2+$0x3C00]  }
0x137: {  	v7 =	vadd.f32 v8, v7;
	_ =	sdelay $0x1  }
0x138: {  	v7 =	vadd.f32 v62, v7;
	_ =	sdelay $0x1  }
0x139: {  	v7 =	vadd.f32 v63, v7  }
0x13a: {  	s4 =	simm.s32 $0x10;
	s2 =	simm.s32 $0x1EC88  }
0x13b: {  	s5 =	sand.u32 $0x3F0, s4;
	s4 =	simm.s32 $0x20;
	[tilespmem:s2+$0x0] =	vst v7  }
.LBB2_16:
0x13c: {  	p1 =	sne.s32 s4, $0x3F0;
	v7 =	vld [tilespmem:s5+$0x16C88]  }
0x13d: {  	s5 =	sadd.s32 $0x16C88, s5  }
0x13e: {  	v8 =	vld [tilespmem:s5+$0x400];
	_ =	sdelay $0x1  }
0x13f: {  	v9 =	vld [tilespmem:s5+$0x800]  }
0x140: {  	v7 =	vadd.f32 $0.0e+00, v7  }
0x141: {  	v10 =	vld [tilespmem:s5+$0xC00]  }
0x142: {  	v7 =	vadd.f32 v8, v7  }
0x143: {  	v8 =	vld [tilespmem:s5+$0x1000]  }
0x144: {  	v7 =	vadd.f32 v9, v7  }
0x145: {  	v9 =	vld [tilespmem:s5+$0x1400]  }
0x146: {  	v7 =	vadd.f32 v10, v7  }
0x147: {  	v10 =	vld [tilespmem:s5+$0x1800]  }
0x148: {  	v7 =	vadd.f32 v8, v7  }
0x149: {  	v8 =	vld [tilespmem:s5+$0x1C00]  }
0x14a: {  	v7 =	vadd.f32 v9, v7  }
0x14b: {  	v9 =	vld [tilespmem:s5+$0x2000]  }
0x14c: {  	v7 =	vadd.f32 v10, v7  }
0x14d: {  	v10 =	vld [tilespmem:s5+$0x2400]  }
0x14e: {  	v7 =	vadd.f32 v8, v7  }
0x14f: {  	v8 =	vld [tilespmem:s5+$0x2800]  }
0x150: {  	v7 =	vadd.f32 v9, v7  }
0x151: {  	v9 =	vld [tilespmem:s5+$0x2C00]  }
0x152: {  	v7 =	vadd.f32 v10, v7  }
0x153: {  	v10 =	vld [tilespmem:s5+$0x3000]  }
0x154: {  	v7 =	vadd.f32 v8, v7  }
0x155: {  	v8 =	vld [tilespmem:s5+$0x3400]  }
0x156: {  	v7 =	vadd.f32 v9, v7  }
0x157: {  	v9 =	vld [tilespmem:s5+$0x3800]  }
0x158: {  	v7 =	vadd.f32 v10, v7  }
0x159: {  	v10 =	vld [tilespmem:s5+$0x3C00]  }
0x15a: {  	v7 =	vadd.f32 v8, v7;
	_ =	sdelay $0x1  }
.Ltmp9:
0x15b: {  	v7 =	vadd.f32 v9, v7;
	(pc) =	sbr.rel @p1 .LBB2_16-.Ltmp9, $4  }
0x15c: {  	_ = 	snop  }
0x15d: {  	v7 =	vadd.f32 v10, v7  }
0x15e: {  	s2 =	sadd.s32 $0x10, s2  }
0x15f: {  	s5 =	sand.u32 $0x3F0, s4;
	s4 =	sadd.s32 $0x10, s4;
	[tilespmem:s2+$0x0] =	vst v7  }
0x160: {  	v7 =	vld [tilespmem:s5+$0x16C88]  }
0x161: {  	s4 =	sadd.s32 $0x16C88, s5  }
0x162: {  	v8 =	vld [tilespmem:s4+$0x400];
	_ =	sdelay $0x1  }
0x163: {  	v9 =	vld [tilespmem:s4+$0x800]  }
0x164: {  	v7 =	vadd.f32 $0.0e+00, v7  }
0x165: {  	v10 =	vld [tilespmem:s4+$0xC00]  }
0x166: {  	v7 =	vadd.f32 v8, v7  }
0x167: {  	v8 =	vld [tilespmem:s4+$0x1000]  }
0x168: {  	v7 =	vadd.f32 v9, v7  }
0x169: {  	v46 =	vld [tilespmem:s4+$0x1400]  }
0x16a: {  	v7 =	vadd.f32 v10, v7  }
0x16b: {  	v47 =	vld [tilespmem:s4+$0x1800]  }
0x16c: {  	v7 =	vadd.f32 v8, v7  }
0x16d: {  	v8 =	vld [tilespmem:s4+$0x1C00]  }
0x16e: {  	v7 =	vadd.f32 v46, v7  }
0x16f: {  	v48 =	vld [tilespmem:s4+$0x2000]  }
0x170: {  	v7 =	vadd.f32 v47, v7  }
0x171: {  	v49 =	vld [tilespmem:s4+$0x2400]  }
0x172: {  	v7 =	vadd.f32 v8, v7  }
0x173: {  	v8 =	vld [tilespmem:s4+$0x2800]  }
0x174: {  	v7 =	vadd.f32 v48, v7  }
0x175: {  	v50 =	vld [tilespmem:s4+$0x2C00]  }
0x176: {  	v7 =	vadd.f32 v49, v7  }
0x177: {  	v51 =	vld [tilespmem:s4+$0x3000]  }
0x178: {  	v7 =	vadd.f32 v8, v7  }
0x179: {  	v8 =	vld [tilespmem:s4+$0x3400]  }
0x17a: {  	v7 =	vadd.f32 v50, v7  }
0x17b: {  	v52 =	vld [tilespmem:s4+$0x3800]  }
0x17c: {  	v7 =	vadd.f32 v51, v7  }
0x17d: {  	v53 =	vld [tilespmem:s4+$0x3C00]  }
0x17e: {  	v7 =	vadd.f32 v8, v7;
	_ =	sdelay $0x1  }
0x17f: {  	v7 =	vadd.f32 v52, v7;
	_ =	sdelay $0x1  }
0x180: {  	v7 =	vadd.f32 v53, v7  }
0x181: {  	s2 =	sadd.s32 $0x10, s2  }
0x182: {  	s19 =	rddreg [dreg:$0x9];
	[tilespmem:s2+$0x0] =	vst v7;
	s2 =	simm.s32 $0x1EC88  }
0x183: {  	[hbm4b:s19+s28] =	stream.strided.scatter [tilespmem:s2], [sflag:$0x2], $0x400, s29, s28, $0x38;
	[tilespmem:$0x1F188] =	vst v63  }
0x184: {  	_ =	swait.ge [sflag:s23], $0x400  }
0x185: {  	s20 =	simm.s32 $0x0;
	[sflag:s23] =	ssyncset.done $0x0  }
0x186: {  	s4 =	sand.u32 $0x3F0, s20;
	[sflag:s23] =	ssyncadd.s32 $0xFFFFFC00  }
0x187: {  	v7 =	vld [tilespmem:s4+$0x1AC88]  }
0x188: {  	s4 =	sadd.s32 $0x1AC88, s4  }
0x189: {  	v8 =	vld [tilespmem:s4+$0x400];
	_ =	sdelay $0x1  }
0x18a: {  	v54 =	vld [tilespmem:s4+$0x800]  }
0x18b: {  	v7 =	vadd.f32 $0.0e+00, v7  }
0x18c: {  	v55 =	vld [tilespmem:s4+$0xC00]  }
0x18d: {  	v7 =	vadd.f32 v8, v7  }
0x18e: {  	v8 =	vld [tilespmem:s4+$0x1000]  }
0x18f: {  	v7 =	vadd.f32 v54, v7  }
0x190: {  	v56 =	vld [tilespmem:s4+$0x1400]  }
0x191: {  	v7 =	vadd.f32 v55, v7  }
0x192: {  	v57 =	vld [tilespmem:s4+$0x1800]  }
0x193: {  	v7 =	vadd.f32 v8, v7  }
0x194: {  	v8 =	vld [tilespmem:s4+$0x1C00]  }
0x195: {  	v7 =	vadd.f32 v56, v7  }
0x196: {  	v58 =	vld [tilespmem:s4+$0x2000]  }
0x197: {  	v7 =	vadd.f32 v57, v7  }
0x198: {  	v59 =	vld [tilespmem:s4+$0x2400]  }
0x199: {  	v7 =	vadd.f32 v8, v7  }
0x19a: {  	v8 =	vld [tilespmem:s4+$0x2800]  }
0x19b: {  	v7 =	vadd.f32 v58, v7  }
0x19c: {  	v60 =	vld [tilespmem:s4+$0x2C00]  }
0x19d: {  	v7 =	vadd.f32 v59, v7  }
0x19e: {  	v61 =	vld [tilespmem:s4+$0x3000]  }
0x19f: {  	v7 =	vadd.f32 v8, v7  }
0x1a0: {  	v8 =	vld [tilespmem:s4+$0x3400]  }
0x1a1: {  	v7 =	vadd.f32 v60, v7  }
0x1a2: {  	v62 =	vld [tilespmem:s4+$0x3800]  }
0x1a3: {  	v7 =	vadd.f32 v61, v7  }
0x1a4: {  	v63 =	vld [tilespmem:s4+$0x3C00]  }
0x1a5: {  	v7 =	vadd.f32 v8, v7;
	_ =	sdelay $0x1  }
0x1a6: {  	v7 =	vadd.f32 v62, v7;
	_ =	sdelay $0x1  }
0x1a7: {  	v7 =	vadd.f32 v63, v7  }
0x1a8: {  	s21 =	simm.s32 $0x10  }
0x1a9: {  	s5 =	sand.u32 $0x3F0, s21;
	s4 =	simm.s32 $0x20;
	[tilespmem:s2+$0x0] =	vst v7  }
.LBB2_18:
0x1aa: {  	p1 =	sne.s32 s4, $0x3F0;
	v7 =	vld [tilespmem:s5+$0x1AC88]  }
0x1ab: {  	s5 =	sadd.s32 $0x1AC88, s5  }
0x1ac: {  	v8 =	vld [tilespmem:s5+$0x400];
	_ =	sdelay $0x1  }
0x1ad: {  	v9 =	vld [tilespmem:s5+$0x800]  }
0x1ae: {  	v7 =	vadd.f32 $0.0e+00, v7  }
0x1af: {  	v10 =	vld [tilespmem:s5+$0xC00]  }
0x1b0: {  	v7 =	vadd.f32 v8, v7  }
0x1b1: {  	v8 =	vld [tilespmem:s5+$0x1000]  }
0x1b2: {  	v7 =	vadd.f32 v9, v7  }
0x1b3: {  	v9 =	vld [tilespmem:s5+$0x1400]  }
0x1b4: {  	v7 =	vadd.f32 v10, v7  }
0x1b5: {  	v10 =	vld [tilespmem:s5+$0x1800]  }
0x1b6: {  	v7 =	vadd.f32 v8, v7  }
0x1b7: {  	v8 =	vld [tilespmem:s5+$0x1C00]  }
0x1b8: {  	v7 =	vadd.f32 v9, v7  }
0x1b9: {  	v9 =	vld [tilespmem:s5+$0x2000]  }
0x1ba: {  	v7 =	vadd.f32 v10, v7  }
0x1bb: {  	v10 =	vld [tilespmem:s5+$0x2400]  }
0x1bc: {  	v7 =	vadd.f32 v8, v7  }
0x1bd: {  	v8 =	vld [tilespmem:s5+$0x2800]  }
0x1be: {  	v7 =	vadd.f32 v9, v7  }
0x1bf: {  	v9 =	vld [tilespmem:s5+$0x2C00]  }
0x1c0: {  	v7 =	vadd.f32 v10, v7  }
0x1c1: {  	v10 =	vld [tilespmem:s5+$0x3000]  }
0x1c2: {  	v7 =	vadd.f32 v8, v7  }
0x1c3: {  	v8 =	vld [tilespmem:s5+$0x3400]  }
0x1c4: {  	v7 =	vadd.f32 v9, v7  }
0x1c5: {  	v9 =	vld [tilespmem:s5+$0x3800]  }
0x1c6: {  	v7 =	vadd.f32 v10, v7  }
0x1c7: {  	v10 =	vld [tilespmem:s5+$0x3C00]  }
0x1c8: {  	v7 =	vadd.f32 v8, v7;
	_ =	sdelay $0x1  }
.Ltmp10:
0x1c9: {  	v7 =	vadd.f32 v9, v7;
	(pc) =	sbr.rel @p1 .LBB2_18-.Ltmp10, $4  }
0x1ca: {  	_ = 	snop  }
0x1cb: {  	v7 =	vadd.f32 v10, v7  }
0x1cc: {  	s2 =	sadd.s32 $0x10, s2  }
0x1cd: {  	s5 =	sand.u32 $0x3F0, s4;
	s4 =	sadd.s32 $0x10, s4;
	[tilespmem:s2+$0x0] =	vst v7  }
0x1ce: {  	v7 =	vld [tilespmem:s5+$0x1AC88]  }
0x1cf: {  	s4 =	sadd.s32 $0x1AC88, s5  }
0x1d0: {  	v8 =	vld [tilespmem:s4+$0x400];
	_ =	sdelay $0x1  }
0x1d1: {  	v9 =	vld [tilespmem:s4+$0x800]  }
0x1d2: {  	v7 =	vadd.f32 $0.0e+00, v7  }
0x1d3: {  	v10 =	vld [tilespmem:s4+$0xC00]  }
0x1d4: {  	v7 =	vadd.f32 v8, v7  }
0x1d5: {  	v8 =	vld [tilespmem:s4+$0x1000]  }
0x1d6: {  	v7 =	vadd.f32 v9, v7  }
0x1d7: {  	v56 =	vld [tilespmem:s4+$0x1400]  }
0x1d8: {  	v7 =	vadd.f32 v10, v7  }
0x1d9: {  	v57 =	vld [tilespmem:s4+$0x1800]  }
0x1da: {  	v7 =	vadd.f32 v8, v7  }
0x1db: {  	v8 =	vld [tilespmem:s4+$0x1C00]  }
0x1dc: {  	v7 =	vadd.f32 v56, v7  }
0x1dd: {  	v58 =	vld [tilespmem:s4+$0x2000]  }
0x1de: {  	v7 =	vadd.f32 v57, v7  }
0x1df: {  	v59 =	vld [tilespmem:s4+$0x2400]  }
0x1e0: {  	v7 =	vadd.f32 v8, v7  }
0x1e1: {  	v8 =	vld [tilespmem:s4+$0x2800]  }
0x1e2: {  	v7 =	vadd.f32 v58, v7  }
0x1e3: {  	v60 =	vld [tilespmem:s4+$0x2C00]  }
0x1e4: {  	v7 =	vadd.f32 v59, v7  }
0x1e5: {  	v61 =	vld [tilespmem:s4+$0x3000]  }
0x1e6: {  	v7 =	vadd.f32 v8, v7  }
0x1e7: {  	v8 =	vld [tilespmem:s4+$0x3400]  }
0x1e8: {  	v7 =	vadd.f32 v60, v7  }
0x1e9: {  	v62 =	vld [tilespmem:s4+$0x3800]  }
0x1ea: {  	v7 =	vadd.f32 v61, v7  }
0x1eb: {  	v63 =	vld [tilespmem:s4+$0x3C00]  }
0x1ec: {  	v7 =	vadd.f32 v8, v7;
	_ =	sdelay $0x1  }
0x1ed: {  	v7 =	vadd.f32 v62, v7;
	_ =	sdelay $0x1  }
0x1ee: {  	v7 =	vadd.f32 v63, v7  }
0x1ef: {  	s2 =	sadd.s32 $0x10, s2  }
0x1f0: {  	s6 =	rddreg [dreg:$0xa];
	s17 =	simm.s32 $0x1EC88;
	[tilespmem:s2+$0x0] =	vst v7  }
0x1f1: {  	[hbm4b:s6+s28] =	stream.strided.scatter [tilespmem:s17], [sflag:$0x2], $0x400, s29, s28, $0x38;
	[tilespmem:$0x1F188] =	vst v63  }
0x1f2: {  	_ =	swait.ge [sflag:s23], $0x400  }
0x1f3: {  	[sflag:s23] =	ssyncset.done $0x0  }
0x1f4: {  	s19 =	simm.s32 $0x1F088;
	s18 =	rddreg [dreg:$0xb];
	[sflag:s23] =	ssyncadd.s32 $0xFFFFFC00  }
0x1f5: {  	[hbm4b:s18+s7] =	stream.linear.scatter [tilespmem:s19], [sflag:$0x2], $0x80, $0x38;
	[tilespmem:$0x1F188] =	vst v63  }
0x1f6: {  	_ =	swait.ge [sflag:s23], $0x80  }
0x1f7: {  	s20 =	rddreg [dreg:$0x10]  }
0x1f8: {  	s21 =	rddreg [dreg:$0xc];
	s4 =	sadd.s32 $0x1, s20  }
0x1f9: {  	p1 =	sne.s32 s4, s21  }
.Ltmp11:
0x1fa: {  	_ = 	snop;
	(pc) =	sbr.rel @p1 .LBB2_1-.Ltmp11, $3  }
0x1fb: {  	_ =	sdelay $0x1  }
0x1fc: {  	[sflag:s23] =	ssyncset.done $0x0  }
0x1fd: {  	[sflag:s23] =	ssyncadd.s32 $0xFFFFFF80  }
0x1fe: {  	_ =	sfence.sel $0x180000  }
0x1ff: {  	[bflag:$0x0] =	sbarrier.arrive $0xFFFF  }
0x200: {  	_ =	strace $0x90000047  }
0x201: {  	[bflag:$0x2] =	sbarrier.arrive $0xFFFF  }
0x202: {  	s0 =	rddreg [dreg:$0x6]  }
0x203: {  	s0 =	sadd.s32 @!p0 $0x100000, s0  }
0x204: {  	[sflag:s0] =	ssyncadd.tile.s32 @!p0 $0x1;
	_ =	shalt  }
.Lfunc_end2:
_tile_overlayer_lowered:
.L_overlay_start_2:
0x205: {  	(tag) =	ssettag $0x2  }
0x206: {  	s0 =	rddreg [dreg:$0x0];
	s2 =	stileid.u32  }
0x207: {  	s1 =	rddreg [dreg:$0x1];
	p0 =	sne.s32 s2, $0x0  }
0x208: {  	s3 =	rddreg [dreg:$0x2];
	[bflag:$0x3] =	sbarrier.arrive $0xFFFF;
	s2 =	simm.s32 @!p0 $0x1C02  }
0x209: {  	[timem:s3], [sflag:s2] =	dma.local @!p0 [hbm:s0], s1  }
0x20a: {  	s0 =	simm.s32 @!p0 $0x2  }
0x20b: {  	_ =	swait.ge @!p0 [sflag:s0], s1  }
0x20c: {  	s1 =	ssub.s32 @!p0 $0x0, s1;
	[sflag:s0] =	ssyncset.done @!p0 $0x0  }
0x20d: {  	[sflag:s0] =	ssyncadd.s32 @!p0 s1  }
0x20e: {  	[bflag:$0x3] =	sbarrier.arrive $0xFFFF  }
0x20f: {  	_ =	shalt  }

// kernel: kernel.7.cloned.1.call-start
scs
__scs_entry_jumppad:
0x0: {  	(pc) =	sbr.rel $0x88, $3  }
0x1: {  	(tag) =	ssettag $0x0;
	lr =	simm.s32 $0x1  }
0x2: {  	[smem:$0x3F9C] =	sst lr;
	_ =	strace $0xD0000000  }
0x3: {  	_ = 	snop  }
0x4: {  	_ = 	snop  }
0x5: {  	_ = 	snop  }
0x6: {  	_ = 	snop  }
0x7: {  	_ = 	snop  }
__scs_overlays_trampoline_lowered:
0x8: {  	[smem:$0x3FAB] =	sst s0  }
0x9: {  	[smem:$0x3FAC] =	sst s1  }
0xa: {  	[smem:$0x3FAD] =	sst s2  }
0xb: {  	[smem:$0x3FAE] =	sst s3  }
0xc: {  	[smem:$0x3FAF] =	sst s4  }
0xd: {  	[smem:$0x3FB0] =	sst s5  }
0xe: {  	[smem:$0x3FB1] =	sst s6  }
0xf: {  	[smem:$0x3FB2] =	sst s7  }
0x10: {  	[smem:$0x3FB3] =	sst s8  }
0x11: {  	[smem:$0x3FB4] =	sst s9;
	s0 =	simm.s32 @!p0 $0x0  }
0x12: {  	s1 =	sld [smem:$0x3F9A];
	s0 =	simm.s32 @p0 $0x1  }
0x13: {  	[smem:$0x3FB5] =	sst s0;
	s0 =	simm.s32 @!p1 $0x0  }
0x14: {  	s2 =	sld [smem:$0x3F99];
	s0 =	simm.s32 @p1 $0x1  }
0x15: {  	[smem:$0x3FB6] =	sst s0;
	s0 =	simm.s32 @!p2 $0x0  }
0x16: {  	s3 =	sld [smem:$0x3FDB];
	s0 =	simm.s32 @p2 $0x1  }
0x17: {  	s4 =	simm.s32 $0x1BF5;
	[smem:$0x3FB8] =	sst s0  }
0x18: {  	s0 =	sld [smem:$0x3F9B];
	_ =	swait.ge [sflag:s4], $0x0  }
0x19: {  	s7 =	sld [smem:$0x3F9C]  }
0x1a: {  	s8 =	sadd.s32 $0xFFFFE003, lr  }
0x1b: {  	s9 =	sadd.s32 $0xFFFFFEF7, lr;
	s5 =	simm.s32 $0xFFFFFFFF;
	p2 =	slt.u32 s8, $0xFFFFF086  }
0x1c: {  	p1 =	slt.u32 s9, $0xF7A;
	s5 =	simm.s32 @!p2 $0x0  }
0x1d: {  	s5 =	simm.s32 @p1 $0x1;
	p0 =	seq.s32 s7, s2  }
0x1e: {  	s7 =	smul.u32 @!p0 $0xF7A, s2;
	p2 =	seq.s32 @!p0 s5, $0x0  }
0x1f: {  	s9 =	smul.u32 $0xF7A, s1;
	s8 =	simm.s32 @!p0 $0x1BF5;
	p2 =	por !p2, p0  }
0x20: {  	[sflag:s8] =	ssyncset.s32 @!p0 $0xFFFFF086;
	s6 =	sadd.s32 @!p0 s3, s7;
	s7 =	simm.s32 @!p0 $0x108  }
0x21: {  	s3 =	sadd.s32 s3, s9;
	s6 =	sadd.s32 @!p0 $0x88, s6;
	s7 =	simm.s32 @p2 $0x1082  }
0x22: {  	[simem:s7], [sflag:s8] =	dma.local @!p0 [hbm:s6], $0xF7A  }
0x23: {  	s9 =	sor.u32 $0xD0000000, s2;
	s6 =	simm.s32 $0x108;
	_ =	swait.ge @!p0 [sflag:s8], $0x0  }
0x24: {  	s3 =	sadd.s32 $0x88, s3;
	s6 =	simm.s32 @!p1 $0x1082;
	[sflag:s4] =	ssyncset.s32 $0xFFFFF086  }
0x25: {  	[simem:s6], [sflag:s4] =	dma.local [hbm:s3], $0xF7A  }
0x26: {  	[smem:$0x3F9C] =	sst s1;
	(tag) =	ssettag s2;
	_ =	strace s9  }
0x27: {  	s1 =	sld [smem:$0x3FAC]  }
0x28: {  	s2 =	sld [smem:$0x3FAD]  }
0x29: {  	s4 =	sld [smem:$0x3FAF]  }
0x2a: {  	p0 =	seq.s32 s5, $0x0;
	s5 =	sld [smem:$0x3FB0]  }
0x2b: {  	s6 =	sld [smem:$0x3FB1]  }
0x2c: {  	s7 =	sld [smem:$0x3FB2]  }
0x2d: {  	s3 =	simm.s32 $0x108;
	s8 =	sld [smem:$0x3FB3]  }
0x2e: {  	s3 =	simm.s32 @!p0 $0x1082;
	s9 =	sld [smem:$0x3FB4]  }
0x2f: {  	lr =	sadd.s32 s0, s3;
	s0 =	sld [smem:$0x3FAB]  }
0x30: {  	s3 =	sld [smem:$0x3FAE]  }
0x31: {  	[smem:$0x3FB7] =	sst s10  }
0x32: {  	s10 =	sld [smem:$0x3FB5];
	_ =	sdelay $0x3  }
0x33: {  	p0 =	seq.s32 s10, $0x1;
	s10 =	sld [smem:$0x3FB7];
	_ =	sdelay $0x3  }
0x34: {  	[smem:$0x3FB7] =	sst s10  }
0x35: {  	s10 =	sld [smem:$0x3FB6];
	_ =	sdelay $0x3  }
0x36: {  	p1 =	seq.s32 s10, $0x1;
	s10 =	sld [smem:$0x3FB7];
	_ =	sdelay $0x3  }
0x37: {  	[smem:$0x3FB7] =	sst s10  }
0x38: {  	s10 =	sld [smem:$0x3FB8]  }
0x39: {  	_ = 	snop;
	(pc) =	sbr.ind lr, $3  }
0x3a: {  	_ = 	snop  }
0x3b: {  	_ = 	snop  }
0x3c: {  	p2 =	seq.s32 s10, $0x1;
	s10 =	sld [smem:$0x3FB7]  }
0x3d: {  	_ =	shalt  }
0x3e: {  	_ =	shalt  }
0x3f: {  	_ =	shalt  }
0x40: {  	_ =	shalt  }
0x41: {  	_ =	shalt  }
0x42: {  	_ =	shalt  }
0x43: {  	_ =	shalt  }
0x44: {  	_ =	shalt  }
0x45: {  	_ =	shalt  }
0x46: {  	_ =	shalt  }
0x47: {  	_ =	shalt  }
0x48: {  	_ =	shalt  }
0x49: {  	_ =	shalt  }
0x4a: {  	_ =	shalt  }
0x4b: {  	_ =	shalt  }
0x4c: {  	_ =	shalt  }
0x4d: {  	_ =	shalt  }
0x4e: {  	_ =	shalt  }
0x4f: {  	_ =	shalt  }
0x50: {  	_ =	shalt  }
0x51: {  	_ =	shalt  }
0x52: {  	_ =	shalt  }
0x53: {  	_ =	shalt  }
0x54: {  	_ =	shalt  }
0x55: {  	_ =	shalt  }
0x56: {  	_ =	shalt  }
0x57: {  	_ =	shalt  }
0x58: {  	_ =	shalt  }
0x59: {  	_ =	shalt  }
0x5a: {  	_ =	shalt  }
0x5b: {  	_ =	shalt  }
0x5c: {  	_ =	shalt  }
0x5d: {  	_ =	shalt  }
0x5e: {  	_ =	shalt  }
0x5f: {  	_ =	shalt  }
0x60: {  	_ =	shalt  }
0x61: {  	_ =	shalt  }
0x62: {  	_ =	shalt  }
0x63: {  	_ =	shalt  }
0x64: {  	_ =	shalt  }
0x65: {  	_ =	shalt  }
0x66: {  	_ =	shalt  }
0x67: {  	_ =	shalt  }
0x68: {  	_ =	shalt  }
0x69: {  	_ =	shalt  }
0x6a: {  	_ =	shalt  }
0x6b: {  	_ =	shalt  }
0x6c: {  	_ =	shalt  }
0x6d: {  	_ =	shalt  }
0x6e: {  	_ =	shalt  }
0x6f: {  	_ =	shalt  }
0x70: {  	_ =	shalt  }
0x71: {  	_ =	shalt  }
0x72: {  	_ =	shalt  }
0x73: {  	_ =	shalt  }
0x74: {  	_ =	shalt  }
0x75: {  	_ =	shalt  }
0x76: {  	_ =	shalt  }
0x77: {  	_ =	shalt  }
0x78: {  	_ =	shalt  }
0x79: {  	_ =	shalt  }
0x7a: {  	_ =	shalt  }
0x7b: {  	_ =	shalt  }
0x7c: {  	_ =	shalt  }
0x7d: {  	_ =	shalt  }
0x7e: {  	_ =	shalt  }
0x7f: {  	_ =	shalt  }
0x80: {  	_ =	shalt  }
0x81: {  	_ =	shalt  }
0x82: {  	_ =	shalt  }
0x83: {  	_ =	shalt  }
0x84: {  	_ =	shalt  }
0x85: {  	_ =	shalt  }
0x86: {  	_ =	shalt  }
0x87: {  	_ =	shalt  }
.Lfunc_end0:
.L_simem_size_0:
called_computation.1_lowered:
.L_overlay_start_0:
0x88: {  	s2 =	sld [smem:$0x3FD9]  }
0x89: {  	s3 =	sld [smem:$0x3FFE];
	_ =	sdelay $0x1  }
0x8a: {  	s1 =	srdreg.scid  }
0x8b: {  	s0 =	sand.u32 $0x1, s1  }
0x8c: {  	s17 =	sshll.u32 s0, $0xA;
	s2 =	sadd.s32 s3, s2  }
0x8d: {  	s2 =	sadd.s32 s2, s17  }
0x8e: {  	[smem:$0x3FC3] =	sst s2  }
0x8f: {  	_ = 	snop  }
0x90: {  	s2 =	sld [smem:$0x3FC8];
	(tm) =	ssettm $0x1  }
0x91: {  	s18 =	sld [smem:$0x3FFB];
	_ =	sdelay $0x3  }
0x92: {  	_ =	strace s18  }
0x93: {  	s3 =	sld [smem:$0x3FFC];
	_ =	sdelay $0x3  }
0x94: {  	_ =	strace s3  }
0x95: {  	s3 =	sld [smem:$0x3FFD];
	_ =	sdelay $0x3  }
0x96: {  	_ =	strace s3  }
0x97: {  	_ =	strace $0x8FFFFFFF  }
0x98: {  	s19 =	sld [smem:$0x3FDB];
	_ =	sdelay $0x1  }
0x99: {  	s4 =	simm.s32 $_scs_section_size  }
0x9a: {  	s5 =	simm.s32 $_size__tile_overlayer_lowered;
	s6 =	simm.s32 $_tile_overlayer_lowered  }
0x9b: {  	s22 =	simm.s32 $0x1BFF;
	s21 =	sshll.u32 s6, $0x1;
	s3 =	sadd.s32 s4, s19  }
0x9c: {  	s7 =	simm.s32 $0x0;
	s20 =	sshll.u32 s5, $0x1;
	s5 =	sadd.s32 s21, s3  }
0x9d: {  	[timem:s7], [sflag:s22] =	dma.local [hbm:s5], s20  }
0x9e: {  	_ =	swait.ge [sflag:s22], s20  }
0x9f: {  	s4 =	ssub.s32 $0x0, s20;
	[sflag:s22] =	ssyncset.done $0x0  }
0xa0: {  	[sflag:s22] =	ssyncadd.s32 s4;
	_ =	sdelay $0x1  }
0xa1: {  	s23 =	simm.s32 $0x1B8B  }
0xa2: {  	_ =	swait.ge [sflag:s23], $0x1  }
0xa3: {  	[sflag:s23] =	ssyncset.done $0x0  }
0xa4: {  	s25 =	simm.s32 $0x1B8E;
	s24 =	sld [smem:$0x3FFE];
	[sflag:s23] =	ssyncadd.s32 $0xFFFFFFFF  }
0xa5: {  	s26 =	simm.s32 $execute0_lowered;
	[smem:$0x3FD2] =	sst s25  }
0xa6: {  	s5 =	sshll.u32 s26, $0x1;
	_ =	strace $0x80000049;
	[dreg:$0x1] =	wrdreg $0xFFFFFFFF  }
0xa7: {  	s28 =	simm.s32 $_size_execute0_lowered;
	s3 =	sadd.s32 s3, s5;
	[dreg:$0x0] =	wrdreg $0x0  }
0xa8: {  	s5 =	sshll.u32 s28, $0x1;
	[dreg:$0x2] =	wrdreg s3  }
0xa9: {  	[dreg:$0x3] =	wrdreg s5  }
0xaa: {  	[dreg:$0x4] =	wrdreg $0xC0  }
0xab: {  	_ =	task [dreg:s7], $0x5FFFF  }
0xac: {  	[dreg:$0x1] =	wrdreg $0xFFFFFFFF  }
0xad: {  	[dreg:$0x0] =	wrdreg $0x60  }
0xae: {  	[dreg:$0x2] =	wrdreg s24  }
0xaf: {  	[dreg:$0x3] =	wrdreg s2  }
0xb0: {  	[dreg:$0x4] =	wrdreg $0x9  }
0xb1: {  	_ =	task.clear_ibuf [dreg:s7], $0x5FFFF;
	_ =	strace $0x90000049  }
0xb2: {  	s29 =	simm.s32 $0x9;
	_ =	strace $0x8000004B  }
0xb3: {  	_ =	swait.ge [sflag:s29], $0x1  }
0xb4: {  	[sflag:s29] =	ssyncadd.s32 $0xFFFFFFFF  }
0xb5: {  	_ =	strace $0x9000004B  }
0xb6: {  	_ =	sfence  }
0xb7: {  	s30 =	sld [smem:$0x0];
	_ =	sdelay $0x2  }
0xb8: {  	s31 =	sshll.u32 s1, $0xD;
	s1 =	sshrl.u32 s1, $0x2  }
0xb9: {  	s3 =	sand.u32 $0x4000, s31;
	s1 =	sadd.s32 s1, s30  }
0xba: {  	s0 =	sor.u32 s3, s0;
	s1 =	sshll.u32 s1, $0x11  }
0xbb: {  	s0 =	sor.u32 s1, s0  }
0xbc: {  	s0 =	sadd.s32 $0x8F2B, s0  }
0xbd: {  	[sflag:s0] =	ssyncadd.remote.s32 $0x1  }
0xbe: {  	_ =	sfence.sel $0xFFFF  }
0xbf: {  	[dreg:$0x0] =	wrdreg $0xFFFFFFFF;
	(pc) =	sbr.abs _section_cstart, $3  }
0xc0: {  	[dreg:$0x1] =	wrdreg $0xFFFFFFFF  }
0xc1: {  	_ =	task.clear_ibuf [dreg:s7], $0x2FFFF;
	_ =	strace $0x9FFFFFFF  }
0xc2: {  	(tm) =	ssettm $0x7FFFFFFF  }
0xc3: {  	_ =	shalt  }
tec
execute0_lowered:
.L_overlay_start_1:
0x0: {  	(tag) =	ssettag $0x1  }
0x1: {  	s2 =	rddreg [dreg:$0x0];
	s1 =	srdreg.scid  }
0x2: {  	s0 =	stileid.u32;
	s3 =	rddreg [dreg:$0x1];
	s4 =	simm.s32 $0x0  }
0x3: {  	s10 =	simm.s32 $0x400;
	s11 =	simm.s32 $0xC00;
	s12 =	simm.s32 $0x1400  }
0x4: {  	s13 =	simm.s32 $0x0;
	s17 =	simm.s32 $0x0;
	s6 =	sand.u32 $0x1, s1  }
.Ltmp0:
0x5: {  	s5 =	sshll.u32 s0, $0x1;
	s1 =	rddreg [dreg:$0x2];
	(pc) =	sbr.rel .LBB2_1-.Ltmp0, $4  }
0x6: {  	[smem:$0x7FF] =	sst s4;
	s5 =	sor.u32 s6, s5;
	s8 =	ssub.s32 $0x2, s6  }
0x7: {  	_ =	strace $0x8000004A;
	s7 =	sshll.u32 s5, $0x4;
	s9 =	sshrl.u32 s8, $0x1  }
0x8: {  	s6 =	sadd.s32 $0x41000, s2;
	s7 =	sadd.s32 s7, s2;
	s8 =	ssub.s32 s8, s9  }
0x9: {  	v0 =	vimm.f32 $0.0e+00;
	s9 =	simm.s32 $0x1;
	s7 =	sadd.s32 $0x200, s7;
	s8 =	smax.u32 s8, $0x1  }
.LBB2_7:
0xa: {  	s13 =	sadd.s32 $0x1, s13  }
0xb: {  	p0 =	sne.s32 s13, s8  }
.Ltmp1:
0xc: {  	_ = 	snop;
	(pc) =	sbr.rel @!p0 .LBB2_8-.Ltmp1, $4  }
0xd: {  	[hbm4b:s7+s4] =	stream.linear.scatter [tilespmem:s12], [sflag:$0x1], $0x80, $0x38;
	[tilespmem:$0x1480] =	vst v63  }
0xe: {  	_ =	swait.ge [sflag:s9], $0x80  }
0xf: {  	[sflag:s9] =	ssyncset.done $0x0  }
0x10: {  	[sflag:s9] =	ssyncadd.s32 $0xFFFFFF80  }
.LBB2_1:
0x11: {  	[tilespmem:s4], [sflag:$0x1] =	stream.linear.gather [hbm4b:s2+s4], $0x400, $0x38;
	[tilespmem:$0x1480] =	vst v63  }
.Ltmp2:
0x12: {  	_ = 	snop;
	(pc) =	sbr.rel .LBB2_2-.Ltmp2, $4  }
0x13: {  	_ =	swait.ge [sflag:s9], $0x400  }
0x14: {  	[sflag:s9] =	ssyncset.done $0x0  }
0x15: {  	[sflag:s9] =	ssyncadd.s32 $0xFFFFFC00  }
0x16: {  	s14 =	simm.s32 $0x0;
	[tilespmem:$0x1400] =	vst v0  }
.LBB2_6:
0x17: {  	s14 =	sadd.s32 $0x1, s14  }
0x18: {  	p0 =	sne.s32 s14, $0x4  }
.Ltmp3:
0x19: {  	_ = 	snop;
	(pc) =	sbr.rel @!p0 .LBB2_7-.Ltmp3, $1  }
0x1a: {  	_ =	sdelay $0x3  }
.LBB2_2:
0x1b: {  	s15 =	sshll.u32 s14, $0x5  }
0x1c: {  	s15 =	sor.u32 s5, s15  }
0x1d: {  	p0 =	sgt.u32 s15, $0x63  }
.Ltmp4:
0x1e: {  	_ = 	snop;
	(pc) =	sbr.rel @p0 .LBB2_6-.Ltmp4, $1  }
0x1f: {  	_ =	sdelay $0x3  }
0x20: {  	s15 =	smul.u32 $0xFA, s15;
	_ =	sdelay $0x1  }
0x21: {  	s16 =	sadd.s32 s6, s15  }
0x22: {  	[tilespmem:s10], [sflag:$0x1] =	stream.linear.gather [hbm4b:s16+s17], $0x7D0, $0x38;
	[tilespmem:$0x1480] =	vst v63  }
0x23: {  	_ =	swait.ge [sflag:s9], $0x7D0  }
0x24: {  	[sflag:s9] =	ssyncset.done $0x0  }
0x25: {  	s15 =	sadd.s32 s3, s15;
	[sflag:s9] =	ssyncadd.s32 $0xFFFFF830  }
0x26: {  	[tilespmem:s11], [sflag:$0x1] =	stream.linear.gather [hbm4b:s15+s17], $0x7D0, $0x38;
	[tilespmem:$0x1480] =	vst v63  }
0x27: {  	_ =	swait.ge [sflag:s9], $0x7D0  }
0x28: {  	[sflag:s9] =	ssyncset.done $0x0  }
0x29: {  	s16 =	simm.s32 $0x0;
	s15 =	simm.s32 $0x40;
	[sflag:s9] =	ssyncadd.s32 $0xFFFFF830  }
.LBB2_4:
0x2a: {  	p0 =	sne.s32 s15, $0x1F00;
	v1 =	vld [tilespmem:s16+$0xC00];
	_ =	sdelay $0x7  }
0x2b: {  	v1 =	vld.idx.msk [tilespmem:v1+s4+$0x0], $0xffff  }
0x2c: {  	v2 =	vld [tilespmem:s16+$0x400];
	_ =	sdelay $0x2  }
0x2d: {  	v3 =	vld [tilespmem:$0x1400];
	_ =	sdelay $0x1  }
0x2e: {  	v1 =	vsub.f32 v2, v1  }
.Ltmp5:
0x2f: {  	(pc) =	sbr.rel @p0 .LBB2_4-.Ltmp5, $3  }
0x30: {  	v1 =	vand.u32 $0x7FFFFFFF, v1  }
0x31: {  	v1 =	vadd.f32 v1, v3;
	_ =	sdelay $0x1  }
0x32: {  	s16 =	sshra.s32 s15, $0x2;
	s15 =	sadd.s32 $0x40, s15;
	[tilespmem:$0x1400] =	vst v1  }
0x33: {  	v1 =	vld [tilespmem:s16+$0xC00];
	_ =	sdelay $0x6  }
0x34: {  	v2 =	vld [tilespmem:s16+$0x400]  }
0x35: {  	v1 =	vld.idx.msk [tilespmem:v1+s4+$0x0], $0xffff;
	_ =	sdelay $0x2  }
0x36: {  	v3 =	vld [tilespmem:$0x1400];
	_ =	sdelay $0x1  }
0x37: {  	v1 =	vsub.f32 v2, v1  }
.Ltmp6:
0x38: {  	_ = 	snop;
	(pc) =	sbr.rel .LBB2_6-.Ltmp6, $3  }
0x39: {  	v1 =	vand.u32 $0x7FFFFFFF, v1  }
0x3a: {  	v1 =	vadd.f32 v1, v3;
	_ =	sdelay $0x1  }
0x3b: {  	[tilespmem:$0x1400] =	vst v1  }
.LBB2_8:
0x3c: {  	_ =	sfence.sel $0x180000  }
0x3d: {  	[bflag:$0x0] =	sbarrier.arrive $0xFFFF  }
0x3e: {  	p0 =	sne.s32 s0, $0x0;
	_ =	strace $0x9000004A  }
0x3f: {  	s0 =	sadd.s32 @!p0 $0x100000, s1;
	[bflag:$0x2] =	sbarrier.arrive $0xFFFF  }
0x40: {  	[sflag:s0] =	ssyncadd.tile.s32 @!p0 $0x1;
	_ =	shalt  }
.Lfunc_end2:
_tile_overlayer_lowered:
.L_overlay_start_2:
0x41: {  	(tag) =	ssettag $0x2  }
0x42: {  	s0 =	rddreg [dreg:$0x0];
	s2 =	stileid.u32  }
0x43: {  	s1 =	rddreg [dreg:$0x1];
	p0 =	sne.s32 s2, $0x0  }
0x44: {  	s3 =	rddreg [dreg:$0x2];
	[bflag:$0x3] =	sbarrier.arrive $0xFFFF;
	s2 =	simm.s32 @!p0 $0x1C01  }
0x45: {  	[timem:s3], [sflag:s2] =	dma.local @!p0 [hbm:s0], s1  }
0x46: {  	s0 =	simm.s32 @!p0 $0x1  }
0x47: {  	_ =	swait.ge @!p0 [sflag:s0], s1  }
0x48: {  	s1 =	ssub.s32 @!p0 $0x0, s1;
	[sflag:s0] =	ssyncset.done @!p0 $0x0  }
0x49: {  	[sflag:s0] =	ssyncadd.s32 @!p0 s1  }
0x4a: {  	[bflag:$0x3] =	sbarrier.arrive $0xFFFF  }
0x4b: {  	_ =	shalt  }

</sc_bundles>
